<compile_context>
chip_gen: v7x
topology: tpu7x:2x2x1
jax: 0.10.2.dev20260603
libtpu: 0.0.44.dev20260713+nightly
codegen_flags: <defaults>
</compile_context>

<pallas_src>
import jax
import jax.numpy as jnp
from jax import lax
from jax.experimental import pallas as pl
from jax.experimental.pallas import tpu as pltpu
from jax.experimental.pallas import tpu_sc as plsc

NCIR = 585
NDIS = 88
D = 128
E_CC = 18720
E_DD = 1408

CC_N = 640
DD_N = 128
NCORE = 2
NTILE = 16
CC_ROWS = CC_N // NCORE
DD_ROWS = DD_N // NCORE
F_CC = CC_ROWS * CC_N
F_DD = DD_ROWS * DD_N
CC_CH = 1280
CC_NB = CC_CH // 128
DD_CH = 128
DD_NT = E_DD // DD_CH
CC_SL = F_CC // NTILE
PLANE = CC_ROWS * 128
NKP = CC_N // 128
DD_SL = F_DD // NTILE
ZCH = 2560
CC_FULL = E_CC // CC_CH
CC_BLK = 18688
CC_T14 = CC_BLK - CC_FULL * CC_CH
CC_T32 = E_CC - CC_BLK

_f32 = jnp.float32
_i32 = jnp.int32
_i16 = jnp.int16


def _sc_body(cc_e2, cc_tl, dd_e2,
             out_cc, out_dd,
             acc_cc, acc_dd,
             ecc, etl, edd,
             sidxs, wbufs, zbuf, sem_z, sem_s, sem_e):
    c = lax.axis_index("c")
    s = lax.axis_index("s")

    @pl.when(s < CC_FULL)
    def _():
        pltpu.async_copy(cc_e2.at[:, pl.ds(s * CC_CH, CC_CH)], ecc, sem_e)

    @pl.when(s == CC_FULL)
    def _():
        pltpu.async_copy(cc_e2.at[:, pl.ds(CC_FULL * CC_CH, CC_T14)],
                         ecc.at[:, pl.ds(0, CC_T14)], sem_e)

    @pl.when(s == NTILE - 1)
    def _():
        pltpu.async_copy(cc_tl, etl, sem_e)

    @pl.when(s < DD_NT)
    def _():
        pltpu.async_copy(dd_e2.at[:, pl.ds(s * DD_CH, DD_CH)], edd, sem_e)

    zv = jnp.zeros((16,), _f32)

    def zloop(i, carry):
        base = i * 64
        zbuf[pl.ds(base, 16)] = zv
        zbuf[pl.ds(base + 16, 16)] = zv
        zbuf[pl.ds(base + 32, 16)] = zv
        zbuf[pl.ds(base + 48, 16)] = zv
        return carry

    lax.fori_loop(0, ZCH // 64, zloop, 0)
    zds = [pltpu.async_copy(zbuf, acc_cc.at[pl.ds(s * CC_SL + k * ZCH, ZCH)],
                            sem_z) for k in range(CC_SL // ZCH)]
    zds.append(pltpu.async_copy(zbuf.at[pl.ds(0, DD_SL)],
                                acc_dd.at[pl.ds(s * DD_SL, DD_SL)], sem_z))

    @pl.when(s < CC_FULL)
    def _():
        pltpu.make_async_copy(cc_e2.at[:, pl.ds(0, CC_CH)], ecc, sem_e).wait()

    @pl.when(s == CC_FULL)
    def _():
        pltpu.make_async_copy(cc_e2.at[:, pl.ds(0, CC_T14)],
                              ecc.at[:, pl.ds(0, CC_T14)], sem_e).wait()

    @pl.when(s == NTILE - 1)
    def _():
        pltpu.make_async_copy(cc_tl, etl, sem_e).wait()

    @pl.when(s < DD_NT)
    def _():
        pltpu.make_async_copy(dd_e2.at[:, pl.ds(0, DD_CH)], edd, sem_e).wait()

    lane = lax.iota(_i32, 16)
    row_lo = c * CC_ROWS

    def make_idx_cc(j, sr, wr):
        def body(i, carry):
            off = j * 128 + i * 16
            sv = ecc[0, pl.ds(off, 16)]
            dv = ecc[1, pl.ds(off, 16)]
            loc = s * CC_CH + off + lane
            valid = (loc < CC_BLK) & (sv >= row_lo) & (sv < row_lo + CC_ROWS)
            sr[pl.ds(i * 16, 16)] = jnp.where(
                valid,
                (dv >> 7) * PLANE + (sv - row_lo) * 128 + (dv & 127),
                s * CC_CH + off + lane)
            wr[pl.ds(i * 16, 16)] = jnp.where(valid, 1.0, 0.0)
            return carry
        lax.fori_loop(0, 8, body, 0)

    for j in range(CC_NB):
        make_idx_cc(j, sidxs[j], wbufs[j])

    @pl.when(s == NTILE - 1)
    def _():
        for i in range(CC_T32 // 16):
            sv = etl[pl.ds(i * 16, 16)]
            dv = etl[pl.ds(CC_T32 + i * 16, 16)]
            valid = (sv >= row_lo) & (sv < row_lo + CC_ROWS)
            sidxs[0][pl.ds(i * 16, 16)] = jnp.where(
                valid,
                (dv >> 7) * PLANE + (sv - row_lo) * 128 + (dv & 127),
                i * 16 + lane)
            wbufs[0][pl.ds(i * 16, 16)] = jnp.where(valid, 1.0, 0.0)

    dd_lo = c * DD_ROWS

    def dd_body(i, carry):
        off = i * 16
        sv = edd[0, pl.ds(off, 16)]
        dv = edd[1, pl.ds(off, 16)]
        gd = s * DD_CH + off + lane
        valid = (gd < E_DD) & (sv >= dd_lo) & (sv < dd_lo + DD_ROWS)
        sidxs[CC_NB][pl.ds(off, 16)] = jnp.where(
            valid, (sv - dd_lo) * DD_N + dv, s * DD_CH + off + lane)
        wbufs[CC_NB][pl.ds(off, 16)] = jnp.where(valid, 1.0, 0.0)
        return carry

    lax.fori_loop(0, 8, dd_body, 0)

    for z in zds:
        z.wait()

    plsc.subcore_barrier()

    sds = [pltpu.async_copy(wbufs[j], acc_cc.at[sidxs[j]], sem_s, add=True)
           for j in range(CC_NB)]
    sds.append(pltpu.async_copy(wbufs[CC_NB], acc_dd.at[sidxs[CC_NB]], sem_s,
                                add=True))
    for sd in sds:
        sd.wait()

    plsc.subcore_barrier()

    ods = [pltpu.async_copy(acc_cc.at[pl.ds(k * PLANE + s * ZCH, ZCH)],
                            out_cc.at[pl.ds(k * (CC_N * 128) + c * PLANE
                                            + s * ZCH, ZCH)], sem_z)
           for k in range(NKP)]
    ods.append(pltpu.async_copy(acc_dd.at[pl.ds(s * DD_SL, DD_SL)],
                                out_dd.at[pl.ds(c * F_DD + s * DD_SL,
                                                DD_SL)], sem_z))
    for od in ods:
        od.wait()


def _sc_build(cc_e2, cc_tl, dd_e2):
    mesh = plsc.VectorSubcoreMesh(core_axis_name="c", subcore_axis_name="s")
    return pl.kernel(
        _sc_body,
        out_type=(
            jax.ShapeDtypeStruct((NCORE * F_CC,), _f32),
            jax.ShapeDtypeStruct((NCORE * F_DD,), _f32),
        ),
        mesh=mesh,
        scratch_types=[
            pltpu.VMEM_SHARED((F_CC,), _f32),
            pltpu.VMEM_SHARED((F_DD,), _f32),
            pltpu.VMEM((2, CC_CH), _i32),
            pltpu.VMEM((2 * CC_T32,), _i32),
            pltpu.VMEM((2, DD_CH), _i32),
            [pltpu.VMEM((128,), _i32) for _ in range(CC_NB + 1)],
            [pltpu.VMEM((128,), _f32) for _ in range(CC_NB + 1)],
            pltpu.VMEM((ZCH,), _f32),
            pltpu.SemaphoreType.DMA,
            pltpu.SemaphoreType.DMA,
            pltpu.SemaphoreType.DMA,
        ],
    )(cc_e2, cc_tl, dd_e2)


def _tc_body(bcc_ref, bdd_ref, ccm_ref, ddm_ref, xc_ref, xd_ref,
             wc1, bc1, wc2, bc2, wd1, bd1, wd2, bd2,
             out_s, out_c, out_d):
    def gcn_stack(bm_ks, x, w1, b1, w2, b2, n):
        ones = jnp.ones((n, 1), _f32)
        cn = (((0,), (0,)), ((), ()))
        deg = jnp.concatenate(
            [lax.dot_general(bk, ones, cn, preferred_element_type=_f32)
             for bk in bm_ks], axis=0) + 1.0
        dinv = lax.rsqrt(deg)

        def layer(h, w, b):
            g = dinv * jnp.dot(h, w, preferred_element_type=_f32)
            m = jnp.concatenate(
                [lax.dot_general(bk, g, cn, preferred_element_type=_f32)
                 for bk in bm_ks], axis=0) + g
            return jnp.maximum(dinv * m + b, 0.0)

        h1 = layer(x, w1, b1)
        h2 = layer(h1, w2, b2)
        return jnp.concatenate([h1, h2], axis=1)

    bm_cc = []
    for k in range(NKP):
        w = min(128, NCIR - 128 * k)
        bm_cc.append(bcc_ref[k, 0:NCIR, 0:w]
                     * ccm_ref[0:NCIR, pl.ds(128 * k, w)])
    bm_dd = [bdd_ref[0:NDIS, 0:NDIS] * ddm_ref[...]]
    cir = gcn_stack(bm_cc, xc_ref[...], wc1[...], bc1[...], wc2[...],
                    bc2[...], NCIR)
    dis = gcn_stack(bm_dd, xd_ref[...], wd1[...], bd1[...], wd2[...],
                    bd2[...], NDIS)
    dis_p = jnp.concatenate(
        [dis, jnp.zeros((DD_N - NDIS, 2 * D), _f32)], axis=0)
    out_s[...] = lax.dot_general(cir, dis_p, (((1,), (1,)), ((), ())),
                                 preferred_element_type=_f32)
    out_c[...] = cir
    out_d[...] = dis


def _tc_dense(bcc, bdd, ccm, ddm, xc, xd,
              wc1, bc1, wc2, bc2, wd1, bd1, wd2, bd2):
    return pl.pallas_call(
        _tc_body,
        out_shape=(
            jax.ShapeDtypeStruct((NCIR, DD_N), _f32),
            jax.ShapeDtypeStruct((NCIR, 2 * D), _f32),
            jax.ShapeDtypeStruct((NDIS, 2 * D), _f32),
        ),
    )(bcc, bdd, ccm, ddm, xc, xd, wc1, bc1, wc2, bc2, wd1, bd1, wd2, bd2)


def kernel(cc_matrix, cc_edges, dd_matrix, dd_edges, x_cir, x_dis,
           W_cir1, b_cir1, W_cir2, b_cir2, W_dis1, b_dis1, W_dis2, b_dis2):
    out_cc, out_dd = _sc_build(
        cc_edges, cc_edges[:, CC_BLK:].reshape(2 * CC_T32), dd_edges)
    bcc = out_cc.reshape(NKP, CC_N, 128)
    bdd = out_dd.reshape(DD_N, DD_N)
    scores, cir, dis = _tc_dense(
        bcc, bdd, cc_matrix, dd_matrix, x_cir, x_dis,
        W_cir1, b_cir1.reshape(1, D), W_cir2, b_cir2.reshape(1, D),
        W_dis1, b_dis1.reshape(1, D), W_dis2, b_dis2.reshape(1, D))
    return (scores[:, :NDIS], cir, dis)

# --- scband reference (transcript-rebuilt; emitter-appended) ---
"""Pipeline reference for scband-graph-cdalast-40553081209093 (READ-ONLY COPY).

The authoritative reference and input builder live on the scoring server;
editing this copy changes nothing except your own understanding.
"""

import jax, jax.numpy as jnp
import numpy as np

N_CIR = 585
N_DIS = 88
D = 128

def gcn_conv(x, edge_index, edge_weight, W, b, num_nodes):
    src = edge_index[0]
    dst = edge_index[1]
    loop = jnp.arange(num_nodes, dtype=src.dtype)
    src = jnp.concatenate([src, loop])
    dst = jnp.concatenate([dst, loop])
    ew = jnp.concatenate([edge_weight, jnp.ones((num_nodes,), dtype=edge_weight.dtype)])
    deg = jnp.zeros((num_nodes,), dtype=ew.dtype).at[dst].add(ew)
    dinv = jnp.where(deg > 0, 1.0 / jnp.sqrt(deg), 0.0)
    norm = dinv[src] * ew * dinv[dst]
    h = x @ W
    msg = h[src] * norm[:, None]
    out = jnp.zeros((num_nodes, h.shape[1]), dtype=h.dtype).at[dst].add(msg)
    return out + b

def setup_inputs(seed: int = 0):
    key = jax.random.key(seed)
    ks = jax.random.split(key, 16)
    s = 1.0 / jnp.sqrt(float(D))
    inp = {}
    inp['cc_matrix'] = jax.random.uniform(ks[0], (N_CIR, N_CIR), dtype=jnp.float32)
    inp['cc_edges'] = jax.random.randint(ks[1], (2, 18720), 0, N_CIR, dtype=jnp.int64 if jax.config.jax_enable_x64 else jnp.int32).astype(jnp.int32)
    inp['dd_matrix'] = jax.random.uniform(ks[2], (N_DIS, N_DIS), dtype=jnp.float32)
    inp['dd_edges'] = jax.random.randint(ks[3], (2, 1408), 0, N_DIS, dtype=jnp.int32)
    inp['x_cir'] = jax.random.normal(ks[4], (N_CIR, D), dtype=jnp.float32)
    inp['x_dis'] = jax.random.normal(ks[5], (N_DIS, D), dtype=jnp.float32)
    inp['W_cir1'] = jax.random.uniform(ks[6], (D, D), minval=-s, maxval=s, dtype=jnp.float32)
    inp['b_cir1'] = jnp.zeros((D,), dtype=jnp.float32)
    inp['W_cir2'] = jax.random.uniform(ks[7], (D, D), minval=-s, maxval=s, dtype=jnp.float32)
    inp['b_cir2'] = jnp.zeros((D,), dtype=jnp.float32)
    inp['W_dis1'] = jax.random.uniform(ks[8], (D, D), minval=-s, maxval=s, dtype=jnp.float32)
    inp['b_dis1'] = jnp.zeros((D,), dtype=jnp.float32)
    inp['W_dis2'] = jax.random.uniform(ks[9], (D, D), minval=-s, maxval=s, dtype=jnp.float32)
    inp['b_dis2'] = jnp.zeros((D,), dtype=jnp.float32)
    return inp

def reference(cc_matrix, cc_edges, dd_matrix, dd_edges, x_cir, x_dis, W_cir1, b_cir1, W_cir2, b_cir2, W_dis1, b_dis1, W_dis2, b_dis2):
    ew_cc = cc_matrix[cc_edges[0], cc_edges[1]]
    x_cir_f1 = jax.nn.relu(gcn_conv(x_cir, cc_edges, ew_cc, W_cir1, b_cir1, N_CIR))
    x_cir_f2 = jax.nn.relu(gcn_conv(x_cir_f1, cc_edges, ew_cc, W_cir2, b_cir2, N_CIR))
    ew_dd = dd_matrix[dd_edges[0], dd_edges[1]]
    x_dis_f1 = jax.nn.relu(gcn_conv(x_dis, dd_edges, ew_dd, W_dis1, b_dis1, N_DIS))
    x_dis_f2 = jax.nn.relu(gcn_conv(x_dis_f1, dd_edges, ew_dd, W_dis2, b_dis2, N_DIS))
    cir_fea = jnp.concatenate([x_cir_f1, x_cir_f2], axis=1)
    dis_fea = jnp.concatenate([x_dis_f1, x_dis_f2], axis=1)
    return (cir_fea @ dis_fea.T, cir_fea, dis_fea)

if __name__ == "__main__":
    import jax
    _d = setup_inputs()
    print(jax.jit(kernel)(*tuple(_d.values())))

</pallas_src>

<mosaic_0001>
#map = affine_map<(d0, d1) -> (0, 0)>
#map1 = affine_map<(d0, d1) -> (0)>
module attributes {stable_mosaic.version = 14 : i64} {
  func.func @_sc_body(%arg0: i32, %arg1: i32, %arg2: memref<2x18720xi32, #tpu.memory_space<hbm>>, %arg3: memref<64xi32, #tpu.memory_space<hbm>>, %arg4: memref<2x1408xi32, #tpu.memory_space<hbm>>, %arg5: memref<409600xf32, #tpu.memory_space<hbm>>, %arg6: memref<16384xf32, #tpu.memory_space<hbm>>, %arg7: memref<204800xf32, #tpu.memory_space<vmem_shared>>, %arg8: memref<8192xf32, #tpu.memory_space<vmem_shared>>, %arg9: memref<2x1280xi32, #tpu.memory_space<vmem>>, %arg10: memref<64xi32, #tpu.memory_space<vmem>>, %arg11: memref<2x128xi32, #tpu.memory_space<vmem>>, %arg12: memref<128xi32, #tpu.memory_space<vmem>>, %arg13: memref<128xi32, #tpu.memory_space<vmem>>, %arg14: memref<128xi32, #tpu.memory_space<vmem>>, %arg15: memref<128xi32, #tpu.memory_space<vmem>>, %arg16: memref<128xi32, #tpu.memory_space<vmem>>, %arg17: memref<128xi32, #tpu.memory_space<vmem>>, %arg18: memref<128xi32, #tpu.memory_space<vmem>>, %arg19: memref<128xi32, #tpu.memory_space<vmem>>, %arg20: memref<128xi32, #tpu.memory_space<vmem>>, %arg21: memref<128xi32, #tpu.memory_space<vmem>>, %arg22: memref<128xi32, #tpu.memory_space<vmem>>, %arg23: memref<128xf32, #tpu.memory_space<vmem>>, %arg24: memref<128xf32, #tpu.memory_space<vmem>>, %arg25: memref<128xf32, #tpu.memory_space<vmem>>, %arg26: memref<128xf32, #tpu.memory_space<vmem>>, %arg27: memref<128xf32, #tpu.memory_space<vmem>>, %arg28: memref<128xf32, #tpu.memory_space<vmem>>, %arg29: memref<128xf32, #tpu.memory_space<vmem>>, %arg30: memref<128xf32, #tpu.memory_space<vmem>>, %arg31: memref<128xf32, #tpu.memory_space<vmem>>, %arg32: memref<128xf32, #tpu.memory_space<vmem>>, %arg33: memref<128xf32, #tpu.memory_space<vmem>>, %arg34: memref<2560xf32, #tpu.memory_space<vmem>>, %arg35: memref<!tpu.dma_semaphore, #tpu.memory_space<semaphore_mem>>, %arg36: memref<!tpu.dma_semaphore, #tpu.memory_space<semaphore_mem>>, %arg37: memref<!tpu.dma_semaphore, #tpu.memory_space<semaphore_mem>>) attributes {dimension_semantics = [#tpu.dimension_semantics<core_parallel>, #tpu.dimension_semantics<subcore_parallel>], iteration_bounds = array<i64: 2, 16>, scalar_prefetch = 0 : i64, scratch_operands = 31 : i64, tpu.core_type = #tpu.core_type<sc_vector_subcore>, window_params = [{transform_indices = #map}, {transform_indices = #map1}, {transform_indices = #map}, {transform_indices = #map1}, {transform_indices = #map1}]} {
    %lt3A = arith.constant 14 : i32
    %lt3A_0 = arith.cmpi slt, %arg1, %lt3A : i32
    %convert_element_type3A = arith.extui %lt3A_0 : i1 to i32
    %cond3A = arith.constant 0 : i32
    %cond3A_1 = arith.cmpi ne, %convert_element_type3A, %cond3A : i32
    scf.if %cond3A_1 {
      %mul3A_298 = arith.constant 1280 : i32
      %mul3A_299 = arith.muli %arg1, %mul3A_298 : i32
      %dma_start3A_300 = arith.constant 0 : i32
      %dma_start3A_301 = tpu.memref_slice %arg2[%dma_start3A_300, %mul3A_299] : memref<2x18720xi32, #tpu.memory_space<hbm>> -> memref<2x1280xi32, #tpu.memory_space<hbm>>
      %dma_start3A_302 = arith.constant 0 : i32
      %dma_start3A_303 = tpu.memref_slice %arg2[%dma_start3A_302, %mul3A_299] : memref<2x18720xi32, #tpu.memory_space<hbm>> -> memref<2x1280xi32, #tpu.memory_space<hbm>>
      tpu.enqueue_dma source(%dma_start3A_303 : memref<2x1280xi32, #tpu.memory_space<hbm>>) target(%arg9 : memref<2x1280xi32, #tpu.memory_space<vmem>>) target_semaphore(%arg37 : memref<!tpu.dma_semaphore, #tpu.memory_space<semaphore_mem>>)
    } else {
    }
    %eq3A = arith.constant 14 : i32
    %eq3A_2 = arith.cmpi eq, %arg1, %eq3A : i32
    %convert_element_type3A_3 = arith.extui %eq3A_2 : i1 to i32
    %cond3A_4 = arith.constant 0 : i32
    %cond3A_5 = arith.cmpi ne, %convert_element_type3A_3, %cond3A_4 : i32
    scf.if %cond3A_5 {
      %dma_start3A_298 = arith.constant 0 : i32
      %dma_start3A_299 = arith.constant 0 : i32
      %dma_start3A_300 = tpu.memref_slice %arg9[%dma_start3A_298, %dma_start3A_299] : memref<2x1280xi32, #tpu.memory_space<vmem>> -> memref<2x768xi32, #tpu.memory_space<vmem>>
      %dma_start3A_301 = arith.constant 0 : i32
      %dma_start3A_302 = arith.constant 17920 : i32
      %dma_start3A_303 = tpu.memref_slice %arg2[%dma_start3A_301, %dma_start3A_302] : memref<2x18720xi32, #tpu.memory_space<hbm>> -> memref<2x768xi32, #tpu.memory_space<hbm>>
      %dma_start3A_304 = arith.constant 0 : i32
      %dma_start3A_305 = arith.constant 0 : i32
      %dma_start3A_306 = tpu.memref_slice %arg9[%dma_start3A_304, %dma_start3A_305] : memref<2x1280xi32, #tpu.memory_space<vmem>> -> memref<2x768xi32, #tpu.memory_space<vmem>>
      %dma_start3A_307 = arith.constant 0 : i32
      %dma_start3A_308 = arith.constant 17920 : i32
      %dma_start3A_309 = tpu.memref_slice %arg2[%dma_start3A_307, %dma_start3A_308] : memref<2x18720xi32, #tpu.memory_space<hbm>> -> memref<2x768xi32, #tpu.memory_space<hbm>>
      tpu.enqueue_dma source(%dma_start3A_309 : memref<2x768xi32, #tpu.memory_space<hbm>>) target(%dma_start3A_306 : memref<2x768xi32, #tpu.memory_space<vmem>>) target_semaphore(%arg37 : memref<!tpu.dma_semaphore, #tpu.memory_space<semaphore_mem>>)
    } else {
    }
    %eq3A_6 = arith.constant 15 : i32
    %eq3A_7 = arith.cmpi eq, %arg1, %eq3A_6 : i32
    %convert_element_type3A_8 = arith.extui %eq3A_7 : i1 to i32
    %cond3A_9 = arith.constant 0 : i32
    %cond3A_10 = arith.cmpi ne, %convert_element_type3A_8, %cond3A_9 : i32
    scf.if %cond3A_10 {
      tpu.enqueue_dma source(%arg3 : memref<64xi32, #tpu.memory_space<hbm>>) target(%arg10 : memref<64xi32, #tpu.memory_space<vmem>>) target_semaphore(%arg37 : memref<!tpu.dma_semaphore, #tpu.memory_space<semaphore_mem>>)
    } else {
    }
    %lt3A_11 = arith.constant 11 : i32
    %lt3A_12 = arith.cmpi slt, %arg1, %lt3A_11 : i32
    %convert_element_type3A_13 = arith.extui %lt3A_12 : i1 to i32
    %cond3A_14 = arith.constant 0 : i32
    %cond3A_15 = arith.cmpi ne, %convert_element_type3A_13, %cond3A_14 : i32
    scf.if %cond3A_15 {
      %mul3A_298 = arith.constant 128 : i32
      %mul3A_299 = arith.muli %arg1, %mul3A_298 : i32
      %dma_start3A_300 = arith.constant 0 : i32
      %dma_start3A_301 = tpu.memref_slice %arg4[%dma_start3A_300, %mul3A_299] : memref<2x1408xi32, #tpu.memory_space<hbm>> -> memref<2x128xi32, #tpu.memory_space<hbm>>
      %dma_start3A_302 = arith.constant 0 : i32
      %dma_start3A_303 = tpu.memref_slice %arg4[%dma_start3A_302, %mul3A_299] : memref<2x1408xi32, #tpu.memory_space<hbm>> -> memref<2x128xi32, #tpu.memory_space<hbm>>
      tpu.enqueue_dma source(%dma_start3A_303 : memref<2x128xi32, #tpu.memory_space<hbm>>) target(%arg11 : memref<2x128xi32, #tpu.memory_space<vmem>>) target_semaphore(%arg37 : memref<!tpu.dma_semaphore, #tpu.memory_space<semaphore_mem>>)
    } else {
    }
    %broadcast_in_dim3A = arith.constant 0.000000e+00 : f32
    %broadcast_in_dim3A_16 = vector.broadcast %broadcast_in_dim3A : f32 to vector<16xf32>
    %scan3A = arith.constant 0 : i32
    %scan3A_17 = arith.constant 0 : i32
    %scan3A_18 = arith.constant 40 : i32
    %scan3A_19 = arith.addi %scan3A_17, %scan3A_18 : i32
    %scan3A_20 = arith.constant 1 : i32
    scf.for %scan3A_298 = %scan3A_17 to %scan3A_19 step %scan3A_20  : i32 {
      %mul3A_299 = arith.constant 64 : i32
      %mul3A_300 = arith.muli %scan3A_298, %mul3A_299 : i32
      %swap3A = arith.index_cast %mul3A_300 : i32 to index
      %swap3A_301 = tpu.vector_load %arg34[%swap3A] {strides = array<i32>} : memref<2560xf32, #tpu.memory_space<vmem>>, vector<16xf32>,
      %swap3A_302 = vector.shape_cast %swap3A_301 : vector<16xf32> to vector<16xf32>
      %swap3A_303 = vector.shape_cast %broadcast_in_dim3A_16 : vector<16xf32> to vector<16xf32>
      tpu.vector_store %arg34[%swap3A], %swap3A_303 {strides = array<i32>} : memref<2560xf32, #tpu.memory_space<vmem>>, vector<16xf32>,
      %add3A_304 = arith.constant 16 : i32
      %add3A_305 = arith.addi %mul3A_300, %add3A_304 : i32
      %swap3A_306 = arith.index_cast %add3A_305 : i32 to index
      %swap3A_307 = tpu.vector_load %arg34[%swap3A_306] {strides = array<i32>} : memref<2560xf32, #tpu.memory_space<vmem>>, vector<16xf32>,
      %swap3A_308 = vector.shape_cast %swap3A_307 : vector<16xf32> to vector<16xf32>
      %swap3A_309 = vector.shape_cast %broadcast_in_dim3A_16 : vector<16xf32> to vector<16xf32>
      tpu.vector_store %arg34[%swap3A_306], %swap3A_309 {strides = array<i32>} : memref<2560xf32, #tpu.memory_space<vmem>>, vector<16xf32>,
      %add3A_310 = arith.constant 32 : i32
      %add3A_311 = arith.addi %mul3A_300, %add3A_310 : i32
      %swap3A_312 = arith.index_cast %add3A_311 : i32 to index
      %swap3A_313 = tpu.vector_load %arg34[%swap3A_312] {strides = array<i32>} : memref<2560xf32, #tpu.memory_space<vmem>>, vector<16xf32>,
      %swap3A_314 = vector.shape_cast %swap3A_313 : vector<16xf32> to vector<16xf32>
      %swap3A_315 = vector.shape_cast %broadcast_in_dim3A_16 : vector<16xf32> to vector<16xf32>
      tpu.vector_store %arg34[%swap3A_312], %swap3A_315 {strides = array<i32>} : memref<2560xf32, #tpu.memory_space<vmem>>, vector<16xf32>,
      %add3A_316 = arith.constant 48 : i32
      %add3A_317 = arith.addi %mul3A_300, %add3A_316 : i32
      %swap3A_318 = arith.index_cast %add3A_317 : i32 to index
      %swap3A_319 = tpu.vector_load %arg34[%swap3A_318] {strides = array<i32>} : memref<2560xf32, #tpu.memory_space<vmem>>, vector<16xf32>,
      %swap3A_320 = vector.shape_cast %swap3A_319 : vector<16xf32> to vector<16xf32>
      %swap3A_321 = vector.shape_cast %broadcast_in_dim3A_16 : vector<16xf32> to vector<16xf32>
      tpu.vector_store %arg34[%swap3A_318], %swap3A_321 {strides = array<i32>} : memref<2560xf32, #tpu.memory_space<vmem>>, vector<16xf32>,
    }
    %scan3A_21 = arith.constant 40 : i32
    %mul3A = arith.constant 12800 : i32
    %mul3A_22 = arith.muli %arg1, %mul3A : i32
    %add3A = arith.constant 0 : i32
    %add3A_23 = arith.addi %mul3A_22, %add3A : i32
    %dma_start3A = tpu.memref_slice %arg7[%add3A_23] : memref<204800xf32, #tpu.memory_space<vmem_shared>> -> memref<2560xf32, #tpu.memory_space<vmem_shared>>
    %dma_start3A_24 = tpu.memref_slice %arg7[%add3A_23] : memref<204800xf32, #tpu.memory_space<vmem_shared>> -> memref<2560xf32, #tpu.memory_space<vmem_shared>>
    tpu.enqueue_dma source(%arg34 : memref<2560xf32, #tpu.memory_space<vmem>>) target(%dma_start3A_24 : memref<2560xf32, #tpu.memory_space<vmem_shared>>) target_semaphore(%arg35 : memref<!tpu.dma_semaphore, #tpu.memory_space<semaphore_mem>>)
    %mul3A_25 = arith.constant 12800 : i32
    %mul3A_26 = arith.muli %arg1, %mul3A_25 : i32
    %add3A_27 = arith.constant 2560 : i32
    %add3A_28 = arith.addi %mul3A_26, %add3A_27 : i32
    %dma_start3A_29 = tpu.memref_slice %arg7[%add3A_28] : memref<204800xf32, #tpu.memory_space<vmem_shared>> -> memref<2560xf32, #tpu.memory_space<vmem_shared>>
    %dma_start3A_30 = tpu.memref_slice %arg7[%add3A_28] : memref<204800xf32, #tpu.memory_space<vmem_shared>> -> memref<2560xf32, #tpu.memory_space<vmem_shared>>
    tpu.enqueue_dma source(%arg34 : memref<2560xf32, #tpu.memory_space<vmem>>) target(%dma_start3A_30 : memref<2560xf32, #tpu.memory_space<vmem_shared>>) target_semaphore(%arg35 : memref<!tpu.dma_semaphore, #tpu.memory_space<semaphore_mem>>)
    %mul3A_31 = arith.constant 12800 : i32
    %mul3A_32 = arith.muli %arg1, %mul3A_31 : i32
    %add3A_33 = arith.constant 5120 : i32
    %add3A_34 = arith.addi %mul3A_32, %add3A_33 : i32
    %dma_start3A_35 = tpu.memref_slice %arg7[%add3A_34] : memref<204800xf32, #tpu.memory_space<vmem_shared>> -> memref<2560xf32, #tpu.memory_space<vmem_shared>>
    %dma_start3A_36 = tpu.memref_slice %arg7[%add3A_34] : memref<204800xf32, #tpu.memory_space<vmem_shared>> -> memref<2560xf32, #tpu.memory_space<vmem_shared>>
    tpu.enqueue_dma source(%arg34 : memref<2560xf32, #tpu.memory_space<vmem>>) target(%dma_start3A_36 : memref<2560xf32, #tpu.memory_space<vmem_shared>>) target_semaphore(%arg35 : memref<!tpu.dma_semaphore, #tpu.memory_space<semaphore_mem>>)
    %mul3A_37 = arith.constant 12800 : i32
    %mul3A_38 = arith.muli %arg1, %mul3A_37 : i32
    %add3A_39 = arith.constant 7680 : i32
    %add3A_40 = arith.addi %mul3A_38, %add3A_39 : i32
    %dma_start3A_41 = tpu.memref_slice %arg7[%add3A_40] : memref<204800xf32, #tpu.memory_space<vmem_shared>> -> memref<2560xf32, #tpu.memory_space<vmem_shared>>
    %dma_start3A_42 = tpu.memref_slice %arg7[%add3A_40] : memref<204800xf32, #tpu.memory_space<vmem_shared>> -> memref<2560xf32, #tpu.memory_space<vmem_shared>>
    tpu.enqueue_dma source(%arg34 : memref<2560xf32, #tpu.memory_space<vmem>>) target(%dma_start3A_42 : memref<2560xf32, #tpu.memory_space<vmem_shared>>) target_semaphore(%arg35 : memref<!tpu.dma_semaphore, #tpu.memory_space<semaphore_mem>>)
    %mul3A_43 = arith.constant 12800 : i32
    %mul3A_44 = arith.muli %arg1, %mul3A_43 : i32
    %add3A_45 = arith.constant 10240 : i32
    %add3A_46 = arith.addi %mul3A_44, %add3A_45 : i32
    %dma_start3A_47 = tpu.memref_slice %arg7[%add3A_46] : memref<204800xf32, #tpu.memory_space<vmem_shared>> -> memref<2560xf32, #tpu.memory_space<vmem_shared>>
    %dma_start3A_48 = tpu.memref_slice %arg7[%add3A_46] : memref<204800xf32, #tpu.memory_space<vmem_shared>> -> memref<2560xf32, #tpu.memory_space<vmem_shared>>
    tpu.enqueue_dma source(%arg34 : memref<2560xf32, #tpu.memory_space<vmem>>) target(%dma_start3A_48 : memref<2560xf32, #tpu.memory_space<vmem_shared>>) target_semaphore(%arg35 : memref<!tpu.dma_semaphore, #tpu.memory_space<semaphore_mem>>)
    %mul3A_49 = arith.constant 512 : i32
    %mul3A_50 = arith.muli %arg1, %mul3A_49 : i32
    %dma_start3A_51 = arith.constant 0 : i32
    %dma_start3A_52 = tpu.memref_slice %arg34[%dma_start3A_51] : memref<2560xf32, #tpu.memory_space<vmem>> -> memref<512xf32, #tpu.memory_space<vmem>>
    %dma_start3A_53 = tpu.memref_slice %arg8[%mul3A_50] : memref<8192xf32, #tpu.memory_space<vmem_shared>> -> memref<512xf32, #tpu.memory_space<vmem_shared>>
    %dma_start3A_54 = tpu.memref_slice %arg8[%mul3A_50] : memref<8192xf32, #tpu.memory_space<vmem_shared>> -> memref<512xf32, #tpu.memory_space<vmem_shared>>
    %dma_start3A_55 = arith.constant 0 : i32
    %dma_start3A_56 = tpu.memref_slice %arg34[%dma_start3A_55] : memref<2560xf32, #tpu.memory_space<vmem>> -> memref<512xf32, #tpu.memory_space<vmem>>
    tpu.enqueue_dma source(%dma_start3A_56 : memref<512xf32, #tpu.memory_space<vmem>>) target(%dma_start3A_54 : memref<512xf32, #tpu.memory_space<vmem_shared>>) target_semaphore(%arg35 : memref<!tpu.dma_semaphore, #tpu.memory_space<semaphore_mem>>)
    %lt3A_57 = arith.constant 14 : i32
    %lt3A_58 = arith.cmpi slt, %arg1, %lt3A_57 : i32
    %convert_element_type3A_59 = arith.extui %lt3A_58 : i1 to i32
    %cond3A_60 = arith.constant 0 : i32
    %cond3A_61 = arith.cmpi ne, %convert_element_type3A_59, %cond3A_60 : i32
    scf.if %cond3A_61 {
      %dma_wait3A_298 = arith.constant 0 : i32
      %dma_wait3A_299 = arith.constant 0 : i32
      %dma_wait3A_300 = tpu.memref_slice %arg2[%dma_wait3A_298, %dma_wait3A_299] : memref<2x18720xi32, #tpu.memory_space<hbm>> -> memref<2x1280xi32, #tpu.memory_space<hbm>>
      %dma_wait3A_301 = arith.constant 0 : i32
      %dma_wait3A_302 = arith.constant 0 : i32
      %dma_wait3A_303 = tpu.memref_slice %arg2[%dma_wait3A_301, %dma_wait3A_302] : memref<2x18720xi32, #tpu.memory_space<hbm>> -> memref<2x1280xi32, #tpu.memory_space<hbm>>
      tpu.wait_dma2 semaphore(%arg37 : memref<!tpu.dma_semaphore, #tpu.memory_space<semaphore_mem>>) src(%dma_wait3A_303 : memref<2x1280xi32, #tpu.memory_space<hbm>>) dst(%arg9 : memref<2x1280xi32, #tpu.memory_space<vmem>>)
    } else {
    }
    %eq3A_62 = arith.constant 14 : i32
    %eq3A_63 = arith.cmpi eq, %arg1, %eq3A_62 : i32
    %convert_element_type3A_64 = arith.extui %eq3A_63 : i1 to i32
    %cond3A_65 = arith.constant 0 : i32
    %cond3A_66 = arith.cmpi ne, %convert_element_type3A_64, %cond3A_65 : i32
    scf.if %cond3A_66 {
      %dma_wait3A_298 = arith.constant 0 : i32
      %dma_wait3A_299 = arith.constant 0 : i32
      %dma_wait3A_300 = tpu.memref_slice %arg9[%dma_wait3A_298, %dma_wait3A_299] : memref<2x1280xi32, #tpu.memory_space<vmem>> -> memref<2x768xi32, #tpu.memory_space<vmem>>
      %dma_wait3A_301 = arith.constant 0 : i32
      %dma_wait3A_302 = arith.constant 0 : i32
      %dma_wait3A_303 = tpu.memref_slice %arg2[%dma_wait3A_301, %dma_wait3A_302] : memref<2x18720xi32, #tpu.memory_space<hbm>> -> memref<2x768xi32, #tpu.memory_space<hbm>>
      %dma_wait3A_304 = arith.constant 0 : i32
      %dma_wait3A_305 = arith.constant 0 : i32
      %dma_wait3A_306 = tpu.memref_slice %arg9[%dma_wait3A_304, %dma_wait3A_305] : memref<2x1280xi32, #tpu.memory_space<vmem>> -> memref<2x768xi32, #tpu.memory_space<vmem>>
      %dma_wait3A_307 = arith.constant 0 : i32
      %dma_wait3A_308 = arith.constant 0 : i32
      %dma_wait3A_309 = tpu.memref_slice %arg2[%dma_wait3A_307, %dma_wait3A_308] : memref<2x18720xi32, #tpu.memory_space<hbm>> -> memref<2x768xi32, #tpu.memory_space<hbm>>
      tpu.wait_dma2 semaphore(%arg37 : memref<!tpu.dma_semaphore, #tpu.memory_space<semaphore_mem>>) src(%dma_wait3A_309 : memref<2x768xi32, #tpu.memory_space<hbm>>) dst(%dma_wait3A_306 : memref<2x768xi32, #tpu.memory_space<vmem>>)
    } else {
    }
    %eq3A_67 = arith.constant 15 : i32
    %eq3A_68 = arith.cmpi eq, %arg1, %eq3A_67 : i32
    %convert_element_type3A_69 = arith.extui %eq3A_68 : i1 to i32
    %cond3A_70 = arith.constant 0 : i32
    %cond3A_71 = arith.cmpi ne, %convert_element_type3A_69, %cond3A_70 : i32
    scf.if %cond3A_71 {
      tpu.wait_dma2 semaphore(%arg37 : memref<!tpu.dma_semaphore, #tpu.memory_space<semaphore_mem>>) src(%arg3 : memref<64xi32, #tpu.memory_space<hbm>>) dst(%arg10 : memref<64xi32, #tpu.memory_space<vmem>>)
    } else {
    }
    %lt3A_72 = arith.constant 11 : i32
    %lt3A_73 = arith.cmpi slt, %arg1, %lt3A_72 : i32
    %convert_element_type3A_74 = arith.extui %lt3A_73 : i1 to i32
    %cond3A_75 = arith.constant 0 : i32
    %cond3A_76 = arith.cmpi ne, %convert_element_type3A_74, %cond3A_75 : i32
    scf.if %cond3A_76 {
      %dma_wait3A_298 = arith.constant 0 : i32
      %dma_wait3A_299 = arith.constant 0 : i32
      %dma_wait3A_300 = tpu.memref_slice %arg4[%dma_wait3A_298, %dma_wait3A_299] : memref<2x1408xi32, #tpu.memory_space<hbm>> -> memref<2x128xi32, #tpu.memory_space<hbm>>
      %dma_wait3A_301 = arith.constant 0 : i32
      %dma_wait3A_302 = arith.constant 0 : i32
      %dma_wait3A_303 = tpu.memref_slice %arg4[%dma_wait3A_301, %dma_wait3A_302] : memref<2x1408xi32, #tpu.memory_space<hbm>> -> memref<2x128xi32, #tpu.memory_space<hbm>>
      tpu.wait_dma2 semaphore(%arg37 : memref<!tpu.dma_semaphore, #tpu.memory_space<semaphore_mem>>) src(%dma_wait3A_303 : memref<2x128xi32, #tpu.memory_space<hbm>>) dst(%arg11 : memref<2x128xi32, #tpu.memory_space<vmem>>)
    } else {
    }
    %iota3A = tpu.iota {dimensions = array<i32: 0>} : vector<16xi32>
    %mul3A_77 = arith.constant 320 : i32
    %mul3A_78 = arith.muli %arg0, %mul3A_77 : i32
    %scan3A_79 = arith.constant 0 : i32
    %scan3A_80 = arith.constant 0 : i32
    %scan3A_81 = arith.constant 8 : i32
    %scan3A_82 = arith.addi %scan3A_80, %scan3A_81 : i32
    %scan3A_83 = arith.constant 1 : i32
    scf.for %scan3A_298 = %scan3A_80 to %scan3A_82 step %scan3A_83  : i32 {
      %mul3A_299 = arith.constant 16 : i32
      %mul3A_300 = arith.muli %scan3A_298, %mul3A_299 : i32
      %add3A_301 = arith.constant 0 : i32
      %add3A_302 = arith.addi %add3A_301, %mul3A_300 : i32
      %get3A = arith.constant 0 : i32
      %get3A_303 = arith.index_cast %get3A : i32 to index
      %get3A_304 = arith.index_cast %add3A_302 : i32 to index
      %get3A_305 = tpu.vector_load %arg9[%get3A_303, %get3A_304] {strides = array<i32>} : memref<2x1280xi32, #tpu.memory_space<vmem>>, vector<1x16xi32>,
      %get3A_306 = vector.shape_cast %get3A_305 : vector<1x16xi32> to vector<16xi32>
      %get3A_307 = arith.constant 1 : i32
      %get3A_308 = arith.index_cast %get3A_307 : i32 to index
      %get3A_309 = arith.index_cast %add3A_302 : i32 to index
      %get3A_310 = tpu.vector_load %arg9[%get3A_308, %get3A_309] {strides = array<i32>} : memref<2x1280xi32, #tpu.memory_space<vmem>>, vector<1x16xi32>,
      %get3A_311 = vector.shape_cast %get3A_310 : vector<1x16xi32> to vector<16xi32>
      %mul3A_312 = arith.constant 1280 : i32
      %mul3A_313 = arith.muli %arg1, %mul3A_312 : i32
      %add3A_314 = arith.addi %mul3A_313, %add3A_302 : i32
      %add3A_315 = vector.broadcast %add3A_314 : i32 to vector<16xi32>
      %add3A_316 = arith.addi %add3A_315, %iota3A : vector<16xi32>
      %lt3A_317 = arith.constant 18688 : i32
      %lt3A_318 = vector.broadcast %lt3A_317 : i32 to vector<16xi32>
      %lt3A_319 = arith.cmpi slt, %add3A_316, %lt3A_318 : vector<16xi32>
      %ge3A = vector.broadcast %mul3A_78 : i32 to vector<16xi32>
      %ge3A_320 = arith.cmpi sge, %get3A_306, %ge3A : vector<16xi32>
      %and3A = arith.andi %lt3A_319, %ge3A_320 : vector<16xi1>
      %add3A_321 = arith.constant 320 : i32
      %add3A_322 = arith.addi %mul3A_78, %add3A_321 : i32
      %lt3A_323 = vector.broadcast %add3A_322 : i32 to vector<16xi32>
      %lt3A_324 = arith.cmpi slt, %get3A_306, %lt3A_323 : vector<16xi32>
      %and3A_325 = arith.andi %and3A, %lt3A_324 : vector<16xi1>
      %shift_right_arithmetic3A = arith.constant 7 : i32
      %shift_right_arithmetic3A_326 = vector.broadcast %shift_right_arithmetic3A : i32 to vector<16xi32>
      %shift_right_arithmetic3A_327 = arith.shrsi %get3A_311, %shift_right_arithmetic3A_326 : vector<16xi32>
      %mul3A_328 = arith.constant 40960 : i32
      %mul3A_329 = vector.broadcast %mul3A_328 : i32 to vector<16xi32>
      %mul3A_330 = arith.muli %shift_right_arithmetic3A_327, %mul3A_329 : vector<16xi32>
      %sub3A = vector.broadcast %mul3A_78 : i32 to vector<16xi32>
      %sub3A_331 = arith.subi %get3A_306, %sub3A : vector<16xi32>
      %mul3A_332 = arith.constant 128 : i32
      %mul3A_333 = vector.broadcast %mul3A_332 : i32 to vector<16xi32>
      %mul3A_334 = arith.muli %sub3A_331, %mul3A_333 : vector<16xi32>
      %add3A_335 = arith.addi %mul3A_330, %mul3A_334 : vector<16xi32>
      %and3A_336 = arith.constant 127 : i32
      %and3A_337 = vector.broadcast %and3A_336 : i32 to vector<16xi32>
      %and3A_338 = arith.andi %get3A_311, %and3A_337 : vector<16xi32>
      %add3A_339 = arith.addi %add3A_335, %and3A_338 : vector<16xi32>
      %mul3A_340 = arith.constant 1280 : i32
      %mul3A_341 = arith.muli %arg1, %mul3A_340 : i32
      %add3A_342 = arith.addi %mul3A_341, %add3A_302 : i32
      %add3A_343 = vector.broadcast %add3A_342 : i32 to vector<16xi32>
      %add3A_344 = arith.addi %add3A_343, %iota3A : vector<16xi32>
      %select_n3A = arith.select %and3A_325, %add3A_339, %add3A_344 : vector<16xi1>, vector<16xi32>
      %mul3A_345 = arith.constant 16 : i32
      %mul3A_346 = arith.muli %scan3A_298, %mul3A_345 : i32
      %swap3A = arith.index_cast %mul3A_346 : i32 to index
      %swap3A_347 = tpu.vector_load %arg12[%swap3A] {strides = array<i32>} : memref<128xi32, #tpu.memory_space<vmem>>, vector<16xi32>,
      %swap3A_348 = vector.shape_cast %swap3A_347 : vector<16xi32> to vector<16xi32>
      %swap3A_349 = vector.shape_cast %select_n3A : vector<16xi32> to vector<16xi32>
      tpu.vector_store %arg12[%swap3A], %swap3A_349 {strides = array<i32>} : memref<128xi32, #tpu.memory_space<vmem>>, vector<16xi32>,
      %jit3A = arith.constant 1.000000e+00 : f32
      %jit3A_350 = arith.constant 0.000000e+00 : f32
      %broadcast_in_dim3A_351 = vector.broadcast %jit3A : f32 to vector<16xf32>
      %broadcast_in_dim3A_352 = vector.broadcast %jit3A_350 : f32 to vector<16xf32>
      %select_n3A_353 = arith.select %and3A_325, %broadcast_in_dim3A_351, %broadcast_in_dim3A_352 : vector<16xi1>, vector<16xf32>
      %mul3A_354 = arith.constant 16 : i32
      %mul3A_355 = arith.muli %scan3A_298, %mul3A_354 : i32
      %swap3A_356 = arith.index_cast %mul3A_355 : i32 to index
      %swap3A_357 = tpu.vector_load %arg23[%swap3A_356] {strides = array<i32>} : memref<128xf32, #tpu.memory_space<vmem>>, vector<16xf32>,
      %swap3A_358 = vector.shape_cast %swap3A_357 : vector<16xf32> to vector<16xf32>
      %swap3A_359 = vector.shape_cast %select_n3A_353 : vector<16xf32> to vector<16xf32>
      tpu.vector_store %arg23[%swap3A_356], %swap3A_359 {strides = array<i32>} : memref<128xf32, #tpu.memory_space<vmem>>, vector<16xf32>,
    }
    %scan3A_84 = arith.constant 8 : i32
    %scan3A_85 = arith.constant 0 : i32
    %scan3A_86 = arith.constant 0 : i32
    %scan3A_87 = arith.constant 8 : i32
    %scan3A_88 = arith.addi %scan3A_86, %scan3A_87 : i32
    %scan3A_89 = arith.constant 1 : i32
    scf.for %scan3A_298 = %scan3A_86 to %scan3A_88 step %scan3A_89  : i32 {
      %mul3A_299 = arith.constant 16 : i32
      %mul3A_300 = arith.muli %scan3A_298, %mul3A_299 : i32
      %add3A_301 = arith.constant 128 : i32
      %add3A_302 = arith.addi %add3A_301, %mul3A_300 : i32
      %get3A = arith.constant 0 : i32
      %get3A_303 = arith.index_cast %get3A : i32 to index
      %get3A_304 = arith.index_cast %add3A_302 : i32 to index
      %get3A_305 = tpu.vector_load %arg9[%get3A_303, %get3A_304] {strides = array<i32>} : memref<2x1280xi32, #tpu.memory_space<vmem>>, vector<1x16xi32>,
      %get3A_306 = vector.shape_cast %get3A_305 : vector<1x16xi32> to vector<16xi32>
      %get3A_307 = arith.constant 1 : i32
      %get3A_308 = arith.index_cast %get3A_307 : i32 to index
      %get3A_309 = arith.index_cast %add3A_302 : i32 to index
      %get3A_310 = tpu.vector_load %arg9[%get3A_308, %get3A_309] {strides = array<i32>} : memref<2x1280xi32, #tpu.memory_space<vmem>>, vector<1x16xi32>,
      %get3A_311 = vector.shape_cast %get3A_310 : vector<1x16xi32> to vector<16xi32>
      %mul3A_312 = arith.constant 1280 : i32
      %mul3A_313 = arith.muli %arg1, %mul3A_312 : i32
      %add3A_314 = arith.addi %mul3A_313, %add3A_302 : i32
      %add3A_315 = vector.broadcast %add3A_314 : i32 to vector<16xi32>
      %add3A_316 = arith.addi %add3A_315, %iota3A : vector<16xi32>
      %lt3A_317 = arith.constant 18688 : i32
      %lt3A_318 = vector.broadcast %lt3A_317 : i32 to vector<16xi32>
      %lt3A_319 = arith.cmpi slt, %add3A_316, %lt3A_318 : vector<16xi32>
      %ge3A = vector.broadcast %mul3A_78 : i32 to vector<16xi32>
      %ge3A_320 = arith.cmpi sge, %get3A_306, %ge3A : vector<16xi32>
      %and3A = arith.andi %lt3A_319, %ge3A_320 : vector<16xi1>
      %add3A_321 = arith.constant 320 : i32
      %add3A_322 = arith.addi %mul3A_78, %add3A_321 : i32
      %lt3A_323 = vector.broadcast %add3A_322 : i32 to vector<16xi32>
      %lt3A_324 = arith.cmpi slt, %get3A_306, %lt3A_323 : vector<16xi32>
      %and3A_325 = arith.andi %and3A, %lt3A_324 : vector<16xi1>
      %shift_right_arithmetic3A = arith.constant 7 : i32
      %shift_right_arithmetic3A_326 = vector.broadcast %shift_right_arithmetic3A : i32 to vector<16xi32>
      %shift_right_arithmetic3A_327 = arith.shrsi %get3A_311, %shift_right_arithmetic3A_326 : vector<16xi32>
      %mul3A_328 = arith.constant 40960 : i32
      %mul3A_329 = vector.broadcast %mul3A_328 : i32 to vector<16xi32>
      %mul3A_330 = arith.muli %shift_right_arithmetic3A_327, %mul3A_329 : vector<16xi32>
      %sub3A = vector.broadcast %mul3A_78 : i32 to vector<16xi32>
      %sub3A_331 = arith.subi %get3A_306, %sub3A : vector<16xi32>
      %mul3A_332 = arith.constant 128 : i32
      %mul3A_333 = vector.broadcast %mul3A_332 : i32 to vector<16xi32>
      %mul3A_334 = arith.muli %sub3A_331, %mul3A_333 : vector<16xi32>
      %add3A_335 = arith.addi %mul3A_330, %mul3A_334 : vector<16xi32>
      %and3A_336 = arith.constant 127 : i32
      %and3A_337 = vector.broadcast %and3A_336 : i32 to vector<16xi32>
      %and3A_338 = arith.andi %get3A_311, %and3A_337 : vector<16xi32>
      %add3A_339 = arith.addi %add3A_335, %and3A_338 : vector<16xi32>
      %mul3A_340 = arith.constant 1280 : i32
      %mul3A_341 = arith.muli %arg1, %mul3A_340 : i32
      %add3A_342 = arith.addi %mul3A_341, %add3A_302 : i32
      %add3A_343 = vector.broadcast %add3A_342 : i32 to vector<16xi32>
      %add3A_344 = arith.addi %add3A_343, %iota3A : vector<16xi32>
      %select_n3A = arith.select %and3A_325, %add3A_339, %add3A_344 : vector<16xi1>, vector<16xi32>
      %mul3A_345 = arith.constant 16 : i32
      %mul3A_346 = arith.muli %scan3A_298, %mul3A_345 : i32
      %swap3A = arith.index_cast %mul3A_346 : i32 to index
      %swap3A_347 = tpu.vector_load %arg13[%swap3A] {strides = array<i32>} : memref<128xi32, #tpu.memory_space<vmem>>, vector<16xi32>,
      %swap3A_348 = vector.shape_cast %swap3A_347 : vector<16xi32> to vector<16xi32>
      %swap3A_349 = vector.shape_cast %select_n3A : vector<16xi32> to vector<16xi32>
      tpu.vector_store %arg13[%swap3A], %swap3A_349 {strides = array<i32>} : memref<128xi32, #tpu.memory_space<vmem>>, vector<16xi32>,
      %jit3A = arith.constant 1.000000e+00 : f32
      %jit3A_350 = arith.constant 0.000000e+00 : f32
      %broadcast_in_dim3A_351 = vector.broadcast %jit3A : f32 to vector<16xf32>
      %broadcast_in_dim3A_352 = vector.broadcast %jit3A_350 : f32 to vector<16xf32>
      %select_n3A_353 = arith.select %and3A_325, %broadcast_in_dim3A_351, %broadcast_in_dim3A_352 : vector<16xi1>, vector<16xf32>
      %mul3A_354 = arith.constant 16 : i32
      %mul3A_355 = arith.muli %scan3A_298, %mul3A_354 : i32
      %swap3A_356 = arith.index_cast %mul3A_355 : i32 to index
      %swap3A_357 = tpu.vector_load %arg24[%swap3A_356] {strides = array<i32>} : memref<128xf32, #tpu.memory_space<vmem>>, vector<16xf32>,
      %swap3A_358 = vector.shape_cast %swap3A_357 : vector<16xf32> to vector<16xf32>
      %swap3A_359 = vector.shape_cast %select_n3A_353 : vector<16xf32> to vector<16xf32>
      tpu.vector_store %arg24[%swap3A_356], %swap3A_359 {strides = array<i32>} : memref<128xf32, #tpu.memory_space<vmem>>, vector<16xf32>,
    }
    %scan3A_90 = arith.constant 8 : i32
    %scan3A_91 = arith.constant 0 : i32
    %scan3A_92 = arith.constant 0 : i32
    %scan3A_93 = arith.constant 8 : i32
    %scan3A_94 = arith.addi %scan3A_92, %scan3A_93 : i32
    %scan3A_95 = arith.constant 1 : i32
    scf.for %scan3A_298 = %scan3A_92 to %scan3A_94 step %scan3A_95  : i32 {
      %mul3A_299 = arith.constant 16 : i32
      %mul3A_300 = arith.muli %scan3A_298, %mul3A_299 : i32
      %add3A_301 = arith.constant 256 : i32
      %add3A_302 = arith.addi %add3A_301, %mul3A_300 : i32
      %get3A = arith.constant 0 : i32
      %get3A_303 = arith.index_cast %get3A : i32 to index
      %get3A_304 = arith.index_cast %add3A_302 : i32 to index
      %get3A_305 = tpu.vector_load %arg9[%get3A_303, %get3A_304] {strides = array<i32>} : memref<2x1280xi32, #tpu.memory_space<vmem>>, vector<1x16xi32>,
      %get3A_306 = vector.shape_cast %get3A_305 : vector<1x16xi32> to vector<16xi32>
      %get3A_307 = arith.constant 1 : i32
      %get3A_308 = arith.index_cast %get3A_307 : i32 to index
      %get3A_309 = arith.index_cast %add3A_302 : i32 to index
      %get3A_310 = tpu.vector_load %arg9[%get3A_308, %get3A_309] {strides = array<i32>} : memref<2x1280xi32, #tpu.memory_space<vmem>>, vector<1x16xi32>,
      %get3A_311 = vector.shape_cast %get3A_310 : vector<1x16xi32> to vector<16xi32>
      %mul3A_312 = arith.constant 1280 : i32
      %mul3A_313 = arith.muli %arg1, %mul3A_312 : i32
      %add3A_314 = arith.addi %mul3A_313, %add3A_302 : i32
      %add3A_315 = vector.broadcast %add3A_314 : i32 to vector<16xi32>
      %add3A_316 = arith.addi %add3A_315, %iota3A : vector<16xi32>
      %lt3A_317 = arith.constant 18688 : i32
      %lt3A_318 = vector.broadcast %lt3A_317 : i32 to vector<16xi32>
      %lt3A_319 = arith.cmpi slt, %add3A_316, %lt3A_318 : vector<16xi32>
      %ge3A = vector.broadcast %mul3A_78 : i32 to vector<16xi32>
      %ge3A_320 = arith.cmpi sge, %get3A_306, %ge3A : vector<16xi32>
      %and3A = arith.andi %lt3A_319, %ge3A_320 : vector<16xi1>
      %add3A_321 = arith.constant 320 : i32
      %add3A_322 = arith.addi %mul3A_78, %add3A_321 : i32
      %lt3A_323 = vector.broadcast %add3A_322 : i32 to vector<16xi32>
      %lt3A_324 = arith.cmpi slt, %get3A_306, %lt3A_323 : vector<16xi32>
      %and3A_325 = arith.andi %and3A, %lt3A_324 : vector<16xi1>
      %shift_right_arithmetic3A = arith.constant 7 : i32
      %shift_right_arithmetic3A_326 = vector.broadcast %shift_right_arithmetic3A : i32 to vector<16xi32>
      %shift_right_arithmetic3A_327 = arith.shrsi %get3A_311, %shift_right_arithmetic3A_326 : vector<16xi32>
      %mul3A_328 = arith.constant 40960 : i32
      %mul3A_329 = vector.broadcast %mul3A_328 : i32 to vector<16xi32>
      %mul3A_330 = arith.muli %shift_right_arithmetic3A_327, %mul3A_329 : vector<16xi32>
      %sub3A = vector.broadcast %mul3A_78 : i32 to vector<16xi32>
      %sub3A_331 = arith.subi %get3A_306, %sub3A : vector<16xi32>
      %mul3A_332 = arith.constant 128 : i32
      %mul3A_333 = vector.broadcast %mul3A_332 : i32 to vector<16xi32>
      %mul3A_334 = arith.muli %sub3A_331, %mul3A_333 : vector<16xi32>
      %add3A_335 = arith.addi %mul3A_330, %mul3A_334 : vector<16xi32>
      %and3A_336 = arith.constant 127 : i32
      %and3A_337 = vector.broadcast %and3A_336 : i32 to vector<16xi32>
      %and3A_338 = arith.andi %get3A_311, %and3A_337 : vector<16xi32>
      %add3A_339 = arith.addi %add3A_335, %and3A_338 : vector<16xi32>
      %mul3A_340 = arith.constant 1280 : i32
      %mul3A_341 = arith.muli %arg1, %mul3A_340 : i32
      %add3A_342 = arith.addi %mul3A_341, %add3A_302 : i32
      %add3A_343 = vector.broadcast %add3A_342 : i32 to vector<16xi32>
      %add3A_344 = arith.addi %add3A_343, %iota3A : vector<16xi32>
      %select_n3A = arith.select %and3A_325, %add3A_339, %add3A_344 : vector<16xi1>, vector<16xi32>
      %mul3A_345 = arith.constant 16 : i32
      %mul3A_346 = arith.muli %scan3A_298, %mul3A_345 : i32
      %swap3A = arith.index_cast %mul3A_346 : i32 to index
      %swap3A_347 = tpu.vector_load %arg14[%swap3A] {strides = array<i32>} : memref<128xi32, #tpu.memory_space<vmem>>, vector<16xi32>,
      %swap3A_348 = vector.shape_cast %swap3A_347 : vector<16xi32> to vector<16xi32>
      %swap3A_349 = vector.shape_cast %select_n3A : vector<16xi32> to vector<16xi32>
      tpu.vector_store %arg14[%swap3A], %swap3A_349 {strides = array<i32>} : memref<128xi32, #tpu.memory_space<vmem>>, vector<16xi32>,
      %jit3A = arith.constant 1.000000e+00 : f32
      %jit3A_350 = arith.constant 0.000000e+00 : f32
      %broadcast_in_dim3A_351 = vector.broadcast %jit3A : f32 to vector<16xf32>
      %broadcast_in_dim3A_352 = vector.broadcast %jit3A_350 : f32 to vector<16xf32>
      %select_n3A_353 = arith.select %and3A_325, %broadcast_in_dim3A_351, %broadcast_in_dim3A_352 : vector<16xi1>, vector<16xf32>
      %mul3A_354 = arith.constant 16 : i32
      %mul3A_355 = arith.muli %scan3A_298, %mul3A_354 : i32
      %swap3A_356 = arith.index_cast %mul3A_355 : i32 to index
      %swap3A_357 = tpu.vector_load %arg25[%swap3A_356] {strides = array<i32>} : memref<128xf32, #tpu.memory_space<vmem>>, vector<16xf32>,
      %swap3A_358 = vector.shape_cast %swap3A_357 : vector<16xf32> to vector<16xf32>
      %swap3A_359 = vector.shape_cast %select_n3A_353 : vector<16xf32> to vector<16xf32>
      tpu.vector_store %arg25[%swap3A_356], %swap3A_359 {strides = array<i32>} : memref<128xf32, #tpu.memory_space<vmem>>, vector<16xf32>,
    }
    %scan3A_96 = arith.constant 8 : i32
    %scan3A_97 = arith.constant 0 : i32
    %scan3A_98 = arith.constant 0 : i32
    %scan3A_99 = arith.constant 8 : i32
    %scan3A_100 = arith.addi %scan3A_98, %scan3A_99 : i32
    %scan3A_101 = arith.constant 1 : i32
    scf.for %scan3A_298 = %scan3A_98 to %scan3A_100 step %scan3A_101  : i32 {
      %mul3A_299 = arith.constant 16 : i32
      %mul3A_300 = arith.muli %scan3A_298, %mul3A_299 : i32
      %add3A_301 = arith.constant 384 : i32
      %add3A_302 = arith.addi %add3A_301, %mul3A_300 : i32
      %get3A = arith.constant 0 : i32
      %get3A_303 = arith.index_cast %get3A : i32 to index
      %get3A_304 = arith.index_cast %add3A_302 : i32 to index
      %get3A_305 = tpu.vector_load %arg9[%get3A_303, %get3A_304] {strides = array<i32>} : memref<2x1280xi32, #tpu.memory_space<vmem>>, vector<1x16xi32>,
      %get3A_306 = vector.shape_cast %get3A_305 : vector<1x16xi32> to vector<16xi32>
      %get3A_307 = arith.constant 1 : i32
      %get3A_308 = arith.index_cast %get3A_307 : i32 to index
      %get3A_309 = arith.index_cast %add3A_302 : i32 to index
      %get3A_310 = tpu.vector_load %arg9[%get3A_308, %get3A_309] {strides = array<i32>} : memref<2x1280xi32, #tpu.memory_space<vmem>>, vector<1x16xi32>,
      %get3A_311 = vector.shape_cast %get3A_310 : vector<1x16xi32> to vector<16xi32>
      %mul3A_312 = arith.constant 1280 : i32
      %mul3A_313 = arith.muli %arg1, %mul3A_312 : i32
      %add3A_314 = arith.addi %mul3A_313, %add3A_302 : i32
      %add3A_315 = vector.broadcast %add3A_314 : i32 to vector<16xi32>
      %add3A_316 = arith.addi %add3A_315, %iota3A : vector<16xi32>
      %lt3A_317 = arith.constant 18688 : i32
      %lt3A_318 = vector.broadcast %lt3A_317 : i32 to vector<16xi32>
      %lt3A_319 = arith.cmpi slt, %add3A_316, %lt3A_318 : vector<16xi32>
      %ge3A = vector.broadcast %mul3A_78 : i32 to vector<16xi32>
      %ge3A_320 = arith.cmpi sge, %get3A_306, %ge3A : vector<16xi32>
      %and3A = arith.andi %lt3A_319, %ge3A_320 : vector<16xi1>
      %add3A_321 = arith.constant 320 : i32
      %add3A_322 = arith.addi %mul3A_78, %add3A_321 : i32
      %lt3A_323 = vector.broadcast %add3A_322 : i32 to vector<16xi32>
      %lt3A_324 = arith.cmpi slt, %get3A_306, %lt3A_323 : vector<16xi32>
      %and3A_325 = arith.andi %and3A, %lt3A_324 : vector<16xi1>
      %shift_right_arithmetic3A = arith.constant 7 : i32
      %shift_right_arithmetic3A_326 = vector.broadcast %shift_right_arithmetic3A : i32 to vector<16xi32>
      %shift_right_arithmetic3A_327 = arith.shrsi %get3A_311, %shift_right_arithmetic3A_326 : vector<16xi32>
      %mul3A_328 = arith.constant 40960 : i32
      %mul3A_329 = vector.broadcast %mul3A_328 : i32 to vector<16xi32>
      %mul3A_330 = arith.muli %shift_right_arithmetic3A_327, %mul3A_329 : vector<16xi32>
      %sub3A = vector.broadcast %mul3A_78 : i32 to vector<16xi32>
      %sub3A_331 = arith.subi %get3A_306, %sub3A : vector<16xi32>
      %mul3A_332 = arith.constant 128 : i32
      %mul3A_333 = vector.broadcast %mul3A_332 : i32 to vector<16xi32>
      %mul3A_334 = arith.muli %sub3A_331, %mul3A_333 : vector<16xi32>
      %add3A_335 = arith.addi %mul3A_330, %mul3A_334 : vector<16xi32>
      %and3A_336 = arith.constant 127 : i32
      %and3A_337 = vector.broadcast %and3A_336 : i32 to vector<16xi32>
      %and3A_338 = arith.andi %get3A_311, %and3A_337 : vector<16xi32>
      %add3A_339 = arith.addi %add3A_335, %and3A_338 : vector<16xi32>
      %mul3A_340 = arith.constant 1280 : i32
      %mul3A_341 = arith.muli %arg1, %mul3A_340 : i32
      %add3A_342 = arith.addi %mul3A_341, %add3A_302 : i32
      %add3A_343 = vector.broadcast %add3A_342 : i32 to vector<16xi32>
      %add3A_344 = arith.addi %add3A_343, %iota3A : vector<16xi32>
      %select_n3A = arith.select %and3A_325, %add3A_339, %add3A_344 : vector<16xi1>, vector<16xi32>
      %mul3A_345 = arith.constant 16 : i32
      %mul3A_346 = arith.muli %scan3A_298, %mul3A_345 : i32
      %swap3A = arith.index_cast %mul3A_346 : i32 to index
      %swap3A_347 = tpu.vector_load %arg15[%swap3A] {strides = array<i32>} : memref<128xi32, #tpu.memory_space<vmem>>, vector<16xi32>,
      %swap3A_348 = vector.shape_cast %swap3A_347 : vector<16xi32> to vector<16xi32>
      %swap3A_349 = vector.shape_cast %select_n3A : vector<16xi32> to vector<16xi32>
      tpu.vector_store %arg15[%swap3A], %swap3A_349 {strides = array<i32>} : memref<128xi32, #tpu.memory_space<vmem>>, vector<16xi32>,
      %jit3A = arith.constant 1.000000e+00 : f32
      %jit3A_350 = arith.constant 0.000000e+00 : f32
      %broadcast_in_dim3A_351 = vector.broadcast %jit3A : f32 to vector<16xf32>
      %broadcast_in_dim3A_352 = vector.broadcast %jit3A_350 : f32 to vector<16xf32>
      %select_n3A_353 = arith.select %and3A_325, %broadcast_in_dim3A_351, %broadcast_in_dim3A_352 : vector<16xi1>, vector<16xf32>
      %mul3A_354 = arith.constant 16 : i32
      %mul3A_355 = arith.muli %scan3A_298, %mul3A_354 : i32
      %swap3A_356 = arith.index_cast %mul3A_355 : i32 to index
      %swap3A_357 = tpu.vector_load %arg26[%swap3A_356] {strides = array<i32>} : memref<128xf32, #tpu.memory_space<vmem>>, vector<16xf32>,
      %swap3A_358 = vector.shape_cast %swap3A_357 : vector<16xf32> to vector<16xf32>
      %swap3A_359 = vector.shape_cast %select_n3A_353 : vector<16xf32> to vector<16xf32>
      tpu.vector_store %arg26[%swap3A_356], %swap3A_359 {strides = array<i32>} : memref<128xf32, #tpu.memory_space<vmem>>, vector<16xf32>,
    }
    %scan3A_102 = arith.constant 8 : i32
    %scan3A_103 = arith.constant 0 : i32
    %scan3A_104 = arith.constant 0 : i32
    %scan3A_105 = arith.constant 8 : i32
    %scan3A_106 = arith.addi %scan3A_104, %scan3A_105 : i32
    %scan3A_107 = arith.constant 1 : i32
    scf.for %scan3A_298 = %scan3A_104 to %scan3A_106 step %scan3A_107  : i32 {
      %mul3A_299 = arith.constant 16 : i32
      %mul3A_300 = arith.muli %scan3A_298, %mul3A_299 : i32
      %add3A_301 = arith.constant 512 : i32
      %add3A_302 = arith.addi %add3A_301, %mul3A_300 : i32
      %get3A = arith.constant 0 : i32
      %get3A_303 = arith.index_cast %get3A : i32 to index
      %get3A_304 = arith.index_cast %add3A_302 : i32 to index
      %get3A_305 = tpu.vector_load %arg9[%get3A_303, %get3A_304] {strides = array<i32>} : memref<2x1280xi32, #tpu.memory_space<vmem>>, vector<1x16xi32>,
      %get3A_306 = vector.shape_cast %get3A_305 : vector<1x16xi32> to vector<16xi32>
      %get3A_307 = arith.constant 1 : i32
      %get3A_308 = arith.index_cast %get3A_307 : i32 to index
      %get3A_309 = arith.index_cast %add3A_302 : i32 to index
      %get3A_310 = tpu.vector_load %arg9[%get3A_308, %get3A_309] {strides = array<i32>} : memref<2x1280xi32, #tpu.memory_space<vmem>>, vector<1x16xi32>,
      %get3A_311 = vector.shape_cast %get3A_310 : vector<1x16xi32> to vector<16xi32>
      %mul3A_312 = arith.constant 1280 : i32
      %mul3A_313 = arith.muli %arg1, %mul3A_312 : i32
      %add3A_314 = arith.addi %mul3A_313, %add3A_302 : i32
      %add3A_315 = vector.broadcast %add3A_314 : i32 to vector<16xi32>
      %add3A_316 = arith.addi %add3A_315, %iota3A : vector<16xi32>
      %lt3A_317 = arith.constant 18688 : i32
      %lt3A_318 = vector.broadcast %lt3A_317 : i32 to vector<16xi32>
      %lt3A_319 = arith.cmpi slt, %add3A_316, %lt3A_318 : vector<16xi32>
      %ge3A = vector.broadcast %mul3A_78 : i32 to vector<16xi32>
      %ge3A_320 = arith.cmpi sge, %get3A_306, %ge3A : vector<16xi32>
      %and3A = arith.andi %lt3A_319, %ge3A_320 : vector<16xi1>
      %add3A_321 = arith.constant 320 : i32
      %add3A_322 = arith.addi %mul3A_78, %add3A_321 : i32
      %lt3A_323 = vector.broadcast %add3A_322 : i32 to vector<16xi32>
      %lt3A_324 = arith.cmpi slt, %get3A_306, %lt3A_323 : vector<16xi32>
      %and3A_325 = arith.andi %and3A, %lt3A_324 : vector<16xi1>
      %shift_right_arithmetic3A = arith.constant 7 : i32
      %shift_right_arithmetic3A_326 = vector.broadcast %shift_right_arithmetic3A : i32 to vector<16xi32>
      %shift_right_arithmetic3A_327 = arith.shrsi %get3A_311, %shift_right_arithmetic3A_326 : vector<16xi32>
      %mul3A_328 = arith.constant 40960 : i32
      %mul3A_329 = vector.broadcast %mul3A_328 : i32 to vector<16xi32>
      %mul3A_330 = arith.muli %shift_right_arithmetic3A_327, %mul3A_329 : vector<16xi32>
      %sub3A = vector.broadcast %mul3A_78 : i32 to vector<16xi32>
      %sub3A_331 = arith.subi %get3A_306, %sub3A : vector<16xi32>
      %mul3A_332 = arith.constant 128 : i32
      %mul3A_333 = vector.broadcast %mul3A_332 : i32 to vector<16xi32>
      %mul3A_334 = arith.muli %sub3A_331, %mul3A_333 : vector<16xi32>
      %add3A_335 = arith.addi %mul3A_330, %mul3A_334 : vector<16xi32>
      %and3A_336 = arith.constant 127 : i32
      %and3A_337 = vector.broadcast %and3A_336 : i32 to vector<16xi32>
      %and3A_338 = arith.andi %get3A_311, %and3A_337 : vector<16xi32>
      %add3A_339 = arith.addi %add3A_335, %and3A_338 : vector<16xi32>
      %mul3A_340 = arith.constant 1280 : i32
      %mul3A_341 = arith.muli %arg1, %mul3A_340 : i32
      %add3A_342 = arith.addi %mul3A_341, %add3A_302 : i32
      %add3A_343 = vector.broadcast %add3A_342 : i32 to vector<16xi32>
      %add3A_344 = arith.addi %add3A_343, %iota3A : vector<16xi32>
      %select_n3A = arith.select %and3A_325, %add3A_339, %add3A_344 : vector<16xi1>, vector<16xi32>
      %mul3A_345 = arith.constant 16 : i32
      %mul3A_346 = arith.muli %scan3A_298, %mul3A_345 : i32
      %swap3A = arith.index_cast %mul3A_346 : i32 to index
      %swap3A_347 = tpu.vector_load %arg16[%swap3A] {strides = array<i32>} : memref<128xi32, #tpu.memory_space<vmem>>, vector<16xi32>,
      %swap3A_348 = vector.shape_cast %swap3A_347 : vector<16xi32> to vector<16xi32>
      %swap3A_349 = vector.shape_cast %select_n3A : vector<16xi32> to vector<16xi32>
      tpu.vector_store %arg16[%swap3A], %swap3A_349 {strides = array<i32>} : memref<128xi32, #tpu.memory_space<vmem>>, vector<16xi32>,
      %jit3A = arith.constant 1.000000e+00 : f32
      %jit3A_350 = arith.constant 0.000000e+00 : f32
      %broadcast_in_dim3A_351 = vector.broadcast %jit3A : f32 to vector<16xf32>
      %broadcast_in_dim3A_352 = vector.broadcast %jit3A_350 : f32 to vector<16xf32>
      %select_n3A_353 = arith.select %and3A_325, %broadcast_in_dim3A_351, %broadcast_in_dim3A_352 : vector<16xi1>, vector<16xf32>
      %mul3A_354 = arith.constant 16 : i32
      %mul3A_355 = arith.muli %scan3A_298, %mul3A_354 : i32
      %swap3A_356 = arith.index_cast %mul3A_355 : i32 to index
      %swap3A_357 = tpu.vector_load %arg27[%swap3A_356] {strides = array<i32>} : memref<128xf32, #tpu.memory_space<vmem>>, vector<16xf32>,
      %swap3A_358 = vector.shape_cast %swap3A_357 : vector<16xf32> to vector<16xf32>
      %swap3A_359 = vector.shape_cast %select_n3A_353 : vector<16xf32> to vector<16xf32>
      tpu.vector_store %arg27[%swap3A_356], %swap3A_359 {strides = array<i32>} : memref<128xf32, #tpu.memory_space<vmem>>, vector<16xf32>,
    }
    %scan3A_108 = arith.constant 8 : i32
    %scan3A_109 = arith.constant 0 : i32
    %scan3A_110 = arith.constant 0 : i32
    %scan3A_111 = arith.constant 8 : i32
    %scan3A_112 = arith.addi %scan3A_110, %scan3A_111 : i32
    %scan3A_113 = arith.constant 1 : i32
    scf.for %scan3A_298 = %scan3A_110 to %scan3A_112 step %scan3A_113  : i32 {
      %mul3A_299 = arith.constant 16 : i32
      %mul3A_300 = arith.muli %scan3A_298, %mul3A_299 : i32
      %add3A_301 = arith.constant 640 : i32
      %add3A_302 = arith.addi %add3A_301, %mul3A_300 : i32
      %get3A = arith.constant 0 : i32
      %get3A_303 = arith.index_cast %get3A : i32 to index
      %get3A_304 = arith.index_cast %add3A_302 : i32 to index
      %get3A_305 = tpu.vector_load %arg9[%get3A_303, %get3A_304] {strides = array<i32>} : memref<2x1280xi32, #tpu.memory_space<vmem>>, vector<1x16xi32>,
      %get3A_306 = vector.shape_cast %get3A_305 : vector<1x16xi32> to vector<16xi32>
      %get3A_307 = arith.constant 1 : i32
      %get3A_308 = arith.index_cast %get3A_307 : i32 to index
      %get3A_309 = arith.index_cast %add3A_302 : i32 to index
      %get3A_310 = tpu.vector_load %arg9[%get3A_308, %get3A_309] {strides = array<i32>} : memref<2x1280xi32, #tpu.memory_space<vmem>>, vector<1x16xi32>,
      %get3A_311 = vector.shape_cast %get3A_310 : vector<1x16xi32> to vector<16xi32>
      %mul3A_312 = arith.constant 1280 : i32
      %mul3A_313 = arith.muli %arg1, %mul3A_312 : i32
      %add3A_314 = arith.addi %mul3A_313, %add3A_302 : i32
      %add3A_315 = vector.broadcast %add3A_314 : i32 to vector<16xi32>
      %add3A_316 = arith.addi %add3A_315, %iota3A : vector<16xi32>
      %lt3A_317 = arith.constant 18688 : i32
      %lt3A_318 = vector.broadcast %lt3A_317 : i32 to vector<16xi32>
      %lt3A_319 = arith.cmpi slt, %add3A_316, %lt3A_318 : vector<16xi32>
      %ge3A = vector.broadcast %mul3A_78 : i32 to vector<16xi32>
      %ge3A_320 = arith.cmpi sge, %get3A_306, %ge3A : vector<16xi32>
      %and3A = arith.andi %lt3A_319, %ge3A_320 : vector<16xi1>
      %add3A_321 = arith.constant 320 : i32
      %add3A_322 = arith.addi %mul3A_78, %add3A_321 : i32
      %lt3A_323 = vector.broadcast %add3A_322 : i32 to vector<16xi32>
      %lt3A_324 = arith.cmpi slt, %get3A_306, %lt3A_323 : vector<16xi32>
      %and3A_325 = arith.andi %and3A, %lt3A_324 : vector<16xi1>
      %shift_right_arithmetic3A = arith.constant 7 : i32
      %shift_right_arithmetic3A_326 = vector.broadcast %shift_right_arithmetic3A : i32 to vector<16xi32>
      %shift_right_arithmetic3A_327 = arith.shrsi %get3A_311, %shift_right_arithmetic3A_326 : vector<16xi32>
      %mul3A_328 = arith.constant 40960 : i32
      %mul3A_329 = vector.broadcast %mul3A_328 : i32 to vector<16xi32>
      %mul3A_330 = arith.muli %shift_right_arithmetic3A_327, %mul3A_329 : vector<16xi32>
      %sub3A = vector.broadcast %mul3A_78 : i32 to vector<16xi32>
      %sub3A_331 = arith.subi %get3A_306, %sub3A : vector<16xi32>
      %mul3A_332 = arith.constant 128 : i32
      %mul3A_333 = vector.broadcast %mul3A_332 : i32 to vector<16xi32>
      %mul3A_334 = arith.muli %sub3A_331, %mul3A_333 : vector<16xi32>
      %add3A_335 = arith.addi %mul3A_330, %mul3A_334 : vector<16xi32>
      %and3A_336 = arith.constant 127 : i32
      %and3A_337 = vector.broadcast %and3A_336 : i32 to vector<16xi32>
      %and3A_338 = arith.andi %get3A_311, %and3A_337 : vector<16xi32>
      %add3A_339 = arith.addi %add3A_335, %and3A_338 : vector<16xi32>
      %mul3A_340 = arith.constant 1280 : i32
      %mul3A_341 = arith.muli %arg1, %mul3A_340 : i32
      %add3A_342 = arith.addi %mul3A_341, %add3A_302 : i32
      %add3A_343 = vector.broadcast %add3A_342 : i32 to vector<16xi32>
      %add3A_344 = arith.addi %add3A_343, %iota3A : vector<16xi32>
      %select_n3A = arith.select %and3A_325, %add3A_339, %add3A_344 : vector<16xi1>, vector<16xi32>
      %mul3A_345 = arith.constant 16 : i32
      %mul3A_346 = arith.muli %scan3A_298, %mul3A_345 : i32
      %swap3A = arith.index_cast %mul3A_346 : i32 to index
      %swap3A_347 = tpu.vector_load %arg17[%swap3A] {strides = array<i32>} : memref<128xi32, #tpu.memory_space<vmem>>, vector<16xi32>,
      %swap3A_348 = vector.shape_cast %swap3A_347 : vector<16xi32> to vector<16xi32>
      %swap3A_349 = vector.shape_cast %select_n3A : vector<16xi32> to vector<16xi32>
      tpu.vector_store %arg17[%swap3A], %swap3A_349 {strides = array<i32>} : memref<128xi32, #tpu.memory_space<vmem>>, vector<16xi32>,
      %jit3A = arith.constant 1.000000e+00 : f32
      %jit3A_350 = arith.constant 0.000000e+00 : f32
      %broadcast_in_dim3A_351 = vector.broadcast %jit3A : f32 to vector<16xf32>
      %broadcast_in_dim3A_352 = vector.broadcast %jit3A_350 : f32 to vector<16xf32>
      %select_n3A_353 = arith.select %and3A_325, %broadcast_in_dim3A_351, %broadcast_in_dim3A_352 : vector<16xi1>, vector<16xf32>
      %mul3A_354 = arith.constant 16 : i32
      %mul3A_355 = arith.muli %scan3A_298, %mul3A_354 : i32
      %swap3A_356 = arith.index_cast %mul3A_355 : i32 to index
      %swap3A_357 = tpu.vector_load %arg28[%swap3A_356] {strides = array<i32>} : memref<128xf32, #tpu.memory_space<vmem>>, vector<16xf32>,
      %swap3A_358 = vector.shape_cast %swap3A_357 : vector<16xf32> to vector<16xf32>
      %swap3A_359 = vector.shape_cast %select_n3A_353 : vector<16xf32> to vector<16xf32>
      tpu.vector_store %arg28[%swap3A_356], %swap3A_359 {strides = array<i32>} : memref<128xf32, #tpu.memory_space<vmem>>, vector<16xf32>,
    }
    %scan3A_114 = arith.constant 8 : i32
    %scan3A_115 = arith.constant 0 : i32
    %scan3A_116 = arith.constant 0 : i32
    %scan3A_117 = arith.constant 8 : i32
    %scan3A_118 = arith.addi %scan3A_116, %scan3A_117 : i32
    %scan3A_119 = arith.constant 1 : i32
    scf.for %scan3A_298 = %scan3A_116 to %scan3A_118 step %scan3A_119  : i32 {
      %mul3A_299 = arith.constant 16 : i32
      %mul3A_300 = arith.muli %scan3A_298, %mul3A_299 : i32
      %add3A_301 = arith.constant 768 : i32
      %add3A_302 = arith.addi %add3A_301, %mul3A_300 : i32
      %get3A = arith.constant 0 : i32
      %get3A_303 = arith.index_cast %get3A : i32 to index
      %get3A_304 = arith.index_cast %add3A_302 : i32 to index
      %get3A_305 = tpu.vector_load %arg9[%get3A_303, %get3A_304] {strides = array<i32>} : memref<2x1280xi32, #tpu.memory_space<vmem>>, vector<1x16xi32>,
      %get3A_306 = vector.shape_cast %get3A_305 : vector<1x16xi32> to vector<16xi32>
      %get3A_307 = arith.constant 1 : i32
      %get3A_308 = arith.index_cast %get3A_307 : i32 to index
      %get3A_309 = arith.index_cast %add3A_302 : i32 to index
      %get3A_310 = tpu.vector_load %arg9[%get3A_308, %get3A_309] {strides = array<i32>} : memref<2x1280xi32, #tpu.memory_space<vmem>>, vector<1x16xi32>,
      %get3A_311 = vector.shape_cast %get3A_310 : vector<1x16xi32> to vector<16xi32>
      %mul3A_312 = arith.constant 1280 : i32
      %mul3A_313 = arith.muli %arg1, %mul3A_312 : i32
      %add3A_314 = arith.addi %mul3A_313, %add3A_302 : i32
      %add3A_315 = vector.broadcast %add3A_314 : i32 to vector<16xi32>
      %add3A_316 = arith.addi %add3A_315, %iota3A : vector<16xi32>
      %lt3A_317 = arith.constant 18688 : i32
      %lt3A_318 = vector.broadcast %lt3A_317 : i32 to vector<16xi32>
      %lt3A_319 = arith.cmpi slt, %add3A_316, %lt3A_318 : vector<16xi32>
      %ge3A = vector.broadcast %mul3A_78 : i32 to vector<16xi32>
      %ge3A_320 = arith.cmpi sge, %get3A_306, %ge3A : vector<16xi32>
      %and3A = arith.andi %lt3A_319, %ge3A_320 : vector<16xi1>
      %add3A_321 = arith.constant 320 : i32
      %add3A_322 = arith.addi %mul3A_78, %add3A_321 : i32
      %lt3A_323 = vector.broadcast %add3A_322 : i32 to vector<16xi32>
      %lt3A_324 = arith.cmpi slt, %get3A_306, %lt3A_323 : vector<16xi32>
      %and3A_325 = arith.andi %and3A, %lt3A_324 : vector<16xi1>
      %shift_right_arithmetic3A = arith.constant 7 : i32
      %shift_right_arithmetic3A_326 = vector.broadcast %shift_right_arithmetic3A : i32 to vector<16xi32>
      %shift_right_arithmetic3A_327 = arith.shrsi %get3A_311, %shift_right_arithmetic3A_326 : vector<16xi32>
      %mul3A_328 = arith.constant 40960 : i32
      %mul3A_329 = vector.broadcast %mul3A_328 : i32 to vector<16xi32>
      %mul3A_330 = arith.muli %shift_right_arithmetic3A_327, %mul3A_329 : vector<16xi32>
      %sub3A = vector.broadcast %mul3A_78 : i32 to vector<16xi32>
      %sub3A_331 = arith.subi %get3A_306, %sub3A : vector<16xi32>
      %mul3A_332 = arith.constant 128 : i32
      %mul3A_333 = vector.broadcast %mul3A_332 : i32 to vector<16xi32>
      %mul3A_334 = arith.muli %sub3A_331, %mul3A_333 : vector<16xi32>
      %add3A_335 = arith.addi %mul3A_330, %mul3A_334 : vector<16xi32>
      %and3A_336 = arith.constant 127 : i32
      %and3A_337 = vector.broadcast %and3A_336 : i32 to vector<16xi32>
      %and3A_338 = arith.andi %get3A_311, %and3A_337 : vector<16xi32>
      %add3A_339 = arith.addi %add3A_335, %and3A_338 : vector<16xi32>
      %mul3A_340 = arith.constant 1280 : i32
      %mul3A_341 = arith.muli %arg1, %mul3A_340 : i32
      %add3A_342 = arith.addi %mul3A_341, %add3A_302 : i32
      %add3A_343 = vector.broadcast %add3A_342 : i32 to vector<16xi32>
      %add3A_344 = arith.addi %add3A_343, %iota3A : vector<16xi32>
      %select_n3A = arith.select %and3A_325, %add3A_339, %add3A_344 : vector<16xi1>, vector<16xi32>
      %mul3A_345 = arith.constant 16 : i32
      %mul3A_346 = arith.muli %scan3A_298, %mul3A_345 : i32
      %swap3A = arith.index_cast %mul3A_346 : i32 to index
      %swap3A_347 = tpu.vector_load %arg18[%swap3A] {strides = array<i32>} : memref<128xi32, #tpu.memory_space<vmem>>, vector<16xi32>,
      %swap3A_348 = vector.shape_cast %swap3A_347 : vector<16xi32> to vector<16xi32>
      %swap3A_349 = vector.shape_cast %select_n3A : vector<16xi32> to vector<16xi32>
      tpu.vector_store %arg18[%swap3A], %swap3A_349 {strides = array<i32>} : memref<128xi32, #tpu.memory_space<vmem>>, vector<16xi32>,
      %jit3A = arith.constant 1.000000e+00 : f32
      %jit3A_350 = arith.constant 0.000000e+00 : f32
      %broadcast_in_dim3A_351 = vector.broadcast %jit3A : f32 to vector<16xf32>
      %broadcast_in_dim3A_352 = vector.broadcast %jit3A_350 : f32 to vector<16xf32>
      %select_n3A_353 = arith.select %and3A_325, %broadcast_in_dim3A_351, %broadcast_in_dim3A_352 : vector<16xi1>, vector<16xf32>
      %mul3A_354 = arith.constant 16 : i32
      %mul3A_355 = arith.muli %scan3A_298, %mul3A_354 : i32
      %swap3A_356 = arith.index_cast %mul3A_355 : i32 to index
      %swap3A_357 = tpu.vector_load %arg29[%swap3A_356] {strides = array<i32>} : memref<128xf32, #tpu.memory_space<vmem>>, vector<16xf32>,
      %swap3A_358 = vector.shape_cast %swap3A_357 : vector<16xf32> to vector<16xf32>
      %swap3A_359 = vector.shape_cast %select_n3A_353 : vector<16xf32> to vector<16xf32>
      tpu.vector_store %arg29[%swap3A_356], %swap3A_359 {strides = array<i32>} : memref<128xf32, #tpu.memory_space<vmem>>, vector<16xf32>,
    }
    %scan3A_120 = arith.constant 8 : i32
    %scan3A_121 = arith.constant 0 : i32
    %scan3A_122 = arith.constant 0 : i32
    %scan3A_123 = arith.constant 8 : i32
    %scan3A_124 = arith.addi %scan3A_122, %scan3A_123 : i32
    %scan3A_125 = arith.constant 1 : i32
    scf.for %scan3A_298 = %scan3A_122 to %scan3A_124 step %scan3A_125  : i32 {
      %mul3A_299 = arith.constant 16 : i32
      %mul3A_300 = arith.muli %scan3A_298, %mul3A_299 : i32
      %add3A_301 = arith.constant 896 : i32
      %add3A_302 = arith.addi %add3A_301, %mul3A_300 : i32
      %get3A = arith.constant 0 : i32
      %get3A_303 = arith.index_cast %get3A : i32 to index
      %get3A_304 = arith.index_cast %add3A_302 : i32 to index
      %get3A_305 = tpu.vector_load %arg9[%get3A_303, %get3A_304] {strides = array<i32>} : memref<2x1280xi32, #tpu.memory_space<vmem>>, vector<1x16xi32>,
      %get3A_306 = vector.shape_cast %get3A_305 : vector<1x16xi32> to vector<16xi32>
      %get3A_307 = arith.constant 1 : i32
      %get3A_308 = arith.index_cast %get3A_307 : i32 to index
      %get3A_309 = arith.index_cast %add3A_302 : i32 to index
      %get3A_310 = tpu.vector_load %arg9[%get3A_308, %get3A_309] {strides = array<i32>} : memref<2x1280xi32, #tpu.memory_space<vmem>>, vector<1x16xi32>,
      %get3A_311 = vector.shape_cast %get3A_310 : vector<1x16xi32> to vector<16xi32>
      %mul3A_312 = arith.constant 1280 : i32
      %mul3A_313 = arith.muli %arg1, %mul3A_312 : i32
      %add3A_314 = arith.addi %mul3A_313, %add3A_302 : i32
      %add3A_315 = vector.broadcast %add3A_314 : i32 to vector<16xi32>
      %add3A_316 = arith.addi %add3A_315, %iota3A : vector<16xi32>
      %lt3A_317 = arith.constant 18688 : i32
      %lt3A_318 = vector.broadcast %lt3A_317 : i32 to vector<16xi32>
      %lt3A_319 = arith.cmpi slt, %add3A_316, %lt3A_318 : vector<16xi32>
      %ge3A = vector.broadcast %mul3A_78 : i32 to vector<16xi32>
      %ge3A_320 = arith.cmpi sge, %get3A_306, %ge3A : vector<16xi32>
      %and3A = arith.andi %lt3A_319, %ge3A_320 : vector<16xi1>
      %add3A_321 = arith.constant 320 : i32
      %add3A_322 = arith.addi %mul3A_78, %add3A_321 : i32
      %lt3A_323 = vector.broadcast %add3A_322 : i32 to vector<16xi32>
      %lt3A_324 = arith.cmpi slt, %get3A_306, %lt3A_323 : vector<16xi32>
      %and3A_325 = arith.andi %and3A, %lt3A_324 : vector<16xi1>
      %shift_right_arithmetic3A = arith.constant 7 : i32
      %shift_right_arithmetic3A_326 = vector.broadcast %shift_right_arithmetic3A : i32 to vector<16xi32>
      %shift_right_arithmetic3A_327 = arith.shrsi %get3A_311, %shift_right_arithmetic3A_326 : vector<16xi32>
      %mul3A_328 = arith.constant 40960 : i32
      %mul3A_329 = vector.broadcast %mul3A_328 : i32 to vector<16xi32>
      %mul3A_330 = arith.muli %shift_right_arithmetic3A_327, %mul3A_329 : vector<16xi32>
      %sub3A = vector.broadcast %mul3A_78 : i32 to vector<16xi32>
      %sub3A_331 = arith.subi %get3A_306, %sub3A : vector<16xi32>
      %mul3A_332 = arith.constant 128 : i32
      %mul3A_333 = vector.broadcast %mul3A_332 : i32 to vector<16xi32>
      %mul3A_334 = arith.muli %sub3A_331, %mul3A_333 : vector<16xi32>
      %add3A_335 = arith.addi %mul3A_330, %mul3A_334 : vector<16xi32>
      %and3A_336 = arith.constant 127 : i32
      %and3A_337 = vector.broadcast %and3A_336 : i32 to vector<16xi32>
      %and3A_338 = arith.andi %get3A_311, %and3A_337 : vector<16xi32>
      %add3A_339 = arith.addi %add3A_335, %and3A_338 : vector<16xi32>
      %mul3A_340 = arith.constant 1280 : i32
      %mul3A_341 = arith.muli %arg1, %mul3A_340 : i32
      %add3A_342 = arith.addi %mul3A_341, %add3A_302 : i32
      %add3A_343 = vector.broadcast %add3A_342 : i32 to vector<16xi32>
      %add3A_344 = arith.addi %add3A_343, %iota3A : vector<16xi32>
      %select_n3A = arith.select %and3A_325, %add3A_339, %add3A_344 : vector<16xi1>, vector<16xi32>
      %mul3A_345 = arith.constant 16 : i32
      %mul3A_346 = arith.muli %scan3A_298, %mul3A_345 : i32
      %swap3A = arith.index_cast %mul3A_346 : i32 to index
      %swap3A_347 = tpu.vector_load %arg19[%swap3A] {strides = array<i32>} : memref<128xi32, #tpu.memory_space<vmem>>, vector<16xi32>,
      %swap3A_348 = vector.shape_cast %swap3A_347 : vector<16xi32> to vector<16xi32>
      %swap3A_349 = vector.shape_cast %select_n3A : vector<16xi32> to vector<16xi32>
      tpu.vector_store %arg19[%swap3A], %swap3A_349 {strides = array<i32>} : memref<128xi32, #tpu.memory_space<vmem>>, vector<16xi32>,
      %jit3A = arith.constant 1.000000e+00 : f32
      %jit3A_350 = arith.constant 0.000000e+00 : f32
      %broadcast_in_dim3A_351 = vector.broadcast %jit3A : f32 to vector<16xf32>
      %broadcast_in_dim3A_352 = vector.broadcast %jit3A_350 : f32 to vector<16xf32>
      %select_n3A_353 = arith.select %and3A_325, %broadcast_in_dim3A_351, %broadcast_in_dim3A_352 : vector<16xi1>, vector<16xf32>
      %mul3A_354 = arith.constant 16 : i32
      %mul3A_355 = arith.muli %scan3A_298, %mul3A_354 : i32
      %swap3A_356 = arith.index_cast %mul3A_355 : i32 to index
      %swap3A_357 = tpu.vector_load %arg30[%swap3A_356] {strides = array<i32>} : memref<128xf32, #tpu.memory_space<vmem>>, vector<16xf32>,
      %swap3A_358 = vector.shape_cast %swap3A_357 : vector<16xf32> to vector<16xf32>
      %swap3A_359 = vector.shape_cast %select_n3A_353 : vector<16xf32> to vector<16xf32>
      tpu.vector_store %arg30[%swap3A_356], %swap3A_359 {strides = array<i32>} : memref<128xf32, #tpu.memory_space<vmem>>, vector<16xf32>,
    }
    %scan3A_126 = arith.constant 8 : i32
    %scan3A_127 = arith.constant 0 : i32
    %scan3A_128 = arith.constant 0 : i32
    %scan3A_129 = arith.constant 8 : i32
    %scan3A_130 = arith.addi %scan3A_128, %scan3A_129 : i32
    %scan3A_131 = arith.constant 1 : i32
    scf.for %scan3A_298 = %scan3A_128 to %scan3A_130 step %scan3A_131  : i32 {
      %mul3A_299 = arith.constant 16 : i32
      %mul3A_300 = arith.muli %scan3A_298, %mul3A_299 : i32
      %add3A_301 = arith.constant 1024 : i32
      %add3A_302 = arith.addi %add3A_301, %mul3A_300 : i32
      %get3A = arith.constant 0 : i32
      %get3A_303 = arith.index_cast %get3A : i32 to index
      %get3A_304 = arith.index_cast %add3A_302 : i32 to index
      %get3A_305 = tpu.vector_load %arg9[%get3A_303, %get3A_304] {strides = array<i32>} : memref<2x1280xi32, #tpu.memory_space<vmem>>, vector<1x16xi32>,
      %get3A_306 = vector.shape_cast %get3A_305 : vector<1x16xi32> to vector<16xi32>
      %get3A_307 = arith.constant 1 : i32
      %get3A_308 = arith.index_cast %get3A_307 : i32 to index
      %get3A_309 = arith.index_cast %add3A_302 : i32 to index
      %get3A_310 = tpu.vector_load %arg9[%get3A_308, %get3A_309] {strides = array<i32>} : memref<2x1280xi32, #tpu.memory_space<vmem>>, vector<1x16xi32>,
      %get3A_311 = vector.shape_cast %get3A_310 : vector<1x16xi32> to vector<16xi32>
      %mul3A_312 = arith.constant 1280 : i32
      %mul3A_313 = arith.muli %arg1, %mul3A_312 : i32
      %add3A_314 = arith.addi %mul3A_313, %add3A_302 : i32
      %add3A_315 = vector.broadcast %add3A_314 : i32 to vector<16xi32>
      %add3A_316 = arith.addi %add3A_315, %iota3A : vector<16xi32>
      %lt3A_317 = arith.constant 18688 : i32
      %lt3A_318 = vector.broadcast %lt3A_317 : i32 to vector<16xi32>
      %lt3A_319 = arith.cmpi slt, %add3A_316, %lt3A_318 : vector<16xi32>
      %ge3A = vector.broadcast %mul3A_78 : i32 to vector<16xi32>
      %ge3A_320 = arith.cmpi sge, %get3A_306, %ge3A : vector<16xi32>
      %and3A = arith.andi %lt3A_319, %ge3A_320 : vector<16xi1>
      %add3A_321 = arith.constant 320 : i32
      %add3A_322 = arith.addi %mul3A_78, %add3A_321 : i32
      %lt3A_323 = vector.broadcast %add3A_322 : i32 to vector<16xi32>
      %lt3A_324 = arith.cmpi slt, %get3A_306, %lt3A_323 : vector<16xi32>
      %and3A_325 = arith.andi %and3A, %lt3A_324 : vector<16xi1>
      %shift_right_arithmetic3A = arith.constant 7 : i32
      %shift_right_arithmetic3A_326 = vector.broadcast %shift_right_arithmetic3A : i32 to vector<16xi32>
      %shift_right_arithmetic3A_327 = arith.shrsi %get3A_311, %shift_right_arithmetic3A_326 : vector<16xi32>
      %mul3A_328 = arith.constant 40960 : i32
      %mul3A_329 = vector.broadcast %mul3A_328 : i32 to vector<16xi32>
      %mul3A_330 = arith.muli %shift_right_arithmetic3A_327, %mul3A_329 : vector<16xi32>
      %sub3A = vector.broadcast %mul3A_78 : i32 to vector<16xi32>
      %sub3A_331 = arith.subi %get3A_306, %sub3A : vector<16xi32>
      %mul3A_332 = arith.constant 128 : i32
      %mul3A_333 = vector.broadcast %mul3A_332 : i32 to vector<16xi32>
      %mul3A_334 = arith.muli %sub3A_331, %mul3A_333 : vector<16xi32>
      %add3A_335 = arith.addi %mul3A_330, %mul3A_334 : vector<16xi32>
      %and3A_336 = arith.constant 127 : i32
      %and3A_337 = vector.broadcast %and3A_336 : i32 to vector<16xi32>
      %and3A_338 = arith.andi %get3A_311, %and3A_337 : vector<16xi32>
      %add3A_339 = arith.addi %add3A_335, %and3A_338 : vector<16xi32>
      %mul3A_340 = arith.constant 1280 : i32
      %mul3A_341 = arith.muli %arg1, %mul3A_340 : i32
      %add3A_342 = arith.addi %mul3A_341, %add3A_302 : i32
      %add3A_343 = vector.broadcast %add3A_342 : i32 to vector<16xi32>
      %add3A_344 = arith.addi %add3A_343, %iota3A : vector<16xi32>
      %select_n3A = arith.select %and3A_325, %add3A_339, %add3A_344 : vector<16xi1>, vector<16xi32>
      %mul3A_345 = arith.constant 16 : i32
      %mul3A_346 = arith.muli %scan3A_298, %mul3A_345 : i32
      %swap3A = arith.index_cast %mul3A_346 : i32 to index
      %swap3A_347 = tpu.vector_load %arg20[%swap3A] {strides = array<i32>} : memref<128xi32, #tpu.memory_space<vmem>>, vector<16xi32>,
      %swap3A_348 = vector.shape_cast %swap3A_347 : vector<16xi32> to vector<16xi32>
      %swap3A_349 = vector.shape_cast %select_n3A : vector<16xi32> to vector<16xi32>
      tpu.vector_store %arg20[%swap3A], %swap3A_349 {strides = array<i32>} : memref<128xi32, #tpu.memory_space<vmem>>, vector<16xi32>,
      %jit3A = arith.constant 1.000000e+00 : f32
      %jit3A_350 = arith.constant 0.000000e+00 : f32
      %broadcast_in_dim3A_351 = vector.broadcast %jit3A : f32 to vector<16xf32>
      %broadcast_in_dim3A_352 = vector.broadcast %jit3A_350 : f32 to vector<16xf32>
      %select_n3A_353 = arith.select %and3A_325, %broadcast_in_dim3A_351, %broadcast_in_dim3A_352 : vector<16xi1>, vector<16xf32>
      %mul3A_354 = arith.constant 16 : i32
      %mul3A_355 = arith.muli %scan3A_298, %mul3A_354 : i32
      %swap3A_356 = arith.index_cast %mul3A_355 : i32 to index
      %swap3A_357 = tpu.vector_load %arg31[%swap3A_356] {strides = array<i32>} : memref<128xf32, #tpu.memory_space<vmem>>, vector<16xf32>,
      %swap3A_358 = vector.shape_cast %swap3A_357 : vector<16xf32> to vector<16xf32>
      %swap3A_359 = vector.shape_cast %select_n3A_353 : vector<16xf32> to vector<16xf32>
      tpu.vector_store %arg31[%swap3A_356], %swap3A_359 {strides = array<i32>} : memref<128xf32, #tpu.memory_space<vmem>>, vector<16xf32>,
    }
    %scan3A_132 = arith.constant 8 : i32
    %scan3A_133 = arith.constant 0 : i32
    %scan3A_134 = arith.constant 0 : i32
    %scan3A_135 = arith.constant 8 : i32
    %scan3A_136 = arith.addi %scan3A_134, %scan3A_135 : i32
    %scan3A_137 = arith.constant 1 : i32
    scf.for %scan3A_298 = %scan3A_134 to %scan3A_136 step %scan3A_137  : i32 {
      %mul3A_299 = arith.constant 16 : i32
      %mul3A_300 = arith.muli %scan3A_298, %mul3A_299 : i32
      %add3A_301 = arith.constant 1152 : i32
      %add3A_302 = arith.addi %add3A_301, %mul3A_300 : i32
      %get3A = arith.constant 0 : i32
      %get3A_303 = arith.index_cast %get3A : i32 to index
      %get3A_304 = arith.index_cast %add3A_302 : i32 to index
      %get3A_305 = tpu.vector_load %arg9[%get3A_303, %get3A_304] {strides = array<i32>} : memref<2x1280xi32, #tpu.memory_space<vmem>>, vector<1x16xi32>,
      %get3A_306 = vector.shape_cast %get3A_305 : vector<1x16xi32> to vector<16xi32>
      %get3A_307 = arith.constant 1 : i32
      %get3A_308 = arith.index_cast %get3A_307 : i32 to index
      %get3A_309 = arith.index_cast %add3A_302 : i32 to index
      %get3A_310 = tpu.vector_load %arg9[%get3A_308, %get3A_309] {strides = array<i32>} : memref<2x1280xi32, #tpu.memory_space<vmem>>, vector<1x16xi32>,
      %get3A_311 = vector.shape_cast %get3A_310 : vector<1x16xi32> to vector<16xi32>
      %mul3A_312 = arith.constant 1280 : i32
      %mul3A_313 = arith.muli %arg1, %mul3A_312 : i32
      %add3A_314 = arith.addi %mul3A_313, %add3A_302 : i32
      %add3A_315 = vector.broadcast %add3A_314 : i32 to vector<16xi32>
      %add3A_316 = arith.addi %add3A_315, %iota3A : vector<16xi32>
      %lt3A_317 = arith.constant 18688 : i32
      %lt3A_318 = vector.broadcast %lt3A_317 : i32 to vector<16xi32>
      %lt3A_319 = arith.cmpi slt, %add3A_316, %lt3A_318 : vector<16xi32>
      %ge3A = vector.broadcast %mul3A_78 : i32 to vector<16xi32>
      %ge3A_320 = arith.cmpi sge, %get3A_306, %ge3A : vector<16xi32>
      %and3A = arith.andi %lt3A_319, %ge3A_320 : vector<16xi1>
      %add3A_321 = arith.constant 320 : i32
      %add3A_322 = arith.addi %mul3A_78, %add3A_321 : i32
      %lt3A_323 = vector.broadcast %add3A_322 : i32 to vector<16xi32>
      %lt3A_324 = arith.cmpi slt, %get3A_306, %lt3A_323 : vector<16xi32>
      %and3A_325 = arith.andi %and3A, %lt3A_324 : vector<16xi1>
      %shift_right_arithmetic3A = arith.constant 7 : i32
      %shift_right_arithmetic3A_326 = vector.broadcast %shift_right_arithmetic3A : i32 to vector<16xi32>
      %shift_right_arithmetic3A_327 = arith.shrsi %get3A_311, %shift_right_arithmetic3A_326 : vector<16xi32>
      %mul3A_328 = arith.constant 40960 : i32
      %mul3A_329 = vector.broadcast %mul3A_328 : i32 to vector<16xi32>
      %mul3A_330 = arith.muli %shift_right_arithmetic3A_327, %mul3A_329 : vector<16xi32>
      %sub3A = vector.broadcast %mul3A_78 : i32 to vector<16xi32>
      %sub3A_331 = arith.subi %get3A_306, %sub3A : vector<16xi32>
      %mul3A_332 = arith.constant 128 : i32
      %mul3A_333 = vector.broadcast %mul3A_332 : i32 to vector<16xi32>
      %mul3A_334 = arith.muli %sub3A_331, %mul3A_333 : vector<16xi32>
      %add3A_335 = arith.addi %mul3A_330, %mul3A_334 : vector<16xi32>
      %and3A_336 = arith.constant 127 : i32
      %and3A_337 = vector.broadcast %and3A_336 : i32 to vector<16xi32>
      %and3A_338 = arith.andi %get3A_311, %and3A_337 : vector<16xi32>
      %add3A_339 = arith.addi %add3A_335, %and3A_338 : vector<16xi32>
      %mul3A_340 = arith.constant 1280 : i32
      %mul3A_341 = arith.muli %arg1, %mul3A_340 : i32
      %add3A_342 = arith.addi %mul3A_341, %add3A_302 : i32
      %add3A_343 = vector.broadcast %add3A_342 : i32 to vector<16xi32>
      %add3A_344 = arith.addi %add3A_343, %iota3A : vector<16xi32>
      %select_n3A = arith.select %and3A_325, %add3A_339, %add3A_344 : vector<16xi1>, vector<16xi32>
      %mul3A_345 = arith.constant 16 : i32
      %mul3A_346 = arith.muli %scan3A_298, %mul3A_345 : i32
      %swap3A = arith.index_cast %mul3A_346 : i32 to index
      %swap3A_347 = tpu.vector_load %arg21[%swap3A] {strides = array<i32>} : memref<128xi32, #tpu.memory_space<vmem>>, vector<16xi32>,
      %swap3A_348 = vector.shape_cast %swap3A_347 : vector<16xi32> to vector<16xi32>
      %swap3A_349 = vector.shape_cast %select_n3A : vector<16xi32> to vector<16xi32>
      tpu.vector_store %arg21[%swap3A], %swap3A_349 {strides = array<i32>} : memref<128xi32, #tpu.memory_space<vmem>>, vector<16xi32>,
      %jit3A = arith.constant 1.000000e+00 : f32
      %jit3A_350 = arith.constant 0.000000e+00 : f32
      %broadcast_in_dim3A_351 = vector.broadcast %jit3A : f32 to vector<16xf32>
      %broadcast_in_dim3A_352 = vector.broadcast %jit3A_350 : f32 to vector<16xf32>
      %select_n3A_353 = arith.select %and3A_325, %broadcast_in_dim3A_351, %broadcast_in_dim3A_352 : vector<16xi1>, vector<16xf32>
      %mul3A_354 = arith.constant 16 : i32
      %mul3A_355 = arith.muli %scan3A_298, %mul3A_354 : i32
      %swap3A_356 = arith.index_cast %mul3A_355 : i32 to index
      %swap3A_357 = tpu.vector_load %arg32[%swap3A_356] {strides = array<i32>} : memref<128xf32, #tpu.memory_space<vmem>>, vector<16xf32>,
      %swap3A_358 = vector.shape_cast %swap3A_357 : vector<16xf32> to vector<16xf32>
      %swap3A_359 = vector.shape_cast %select_n3A_353 : vector<16xf32> to vector<16xf32>
      tpu.vector_store %arg32[%swap3A_356], %swap3A_359 {strides = array<i32>} : memref<128xf32, #tpu.memory_space<vmem>>, vector<16xf32>,
    }
    %scan3A_138 = arith.constant 8 : i32
    %eq3A_139 = arith.constant 15 : i32
    %eq3A_140 = arith.cmpi eq, %arg1, %eq3A_139 : i32
    %convert_element_type3A_141 = arith.extui %eq3A_140 : i1 to i32
    %cond3A_142 = arith.constant 0 : i32
    %cond3A_143 = arith.cmpi ne, %convert_element_type3A_141, %cond3A_142 : i32
    scf.if %cond3A_143 {
      %get3A = arith.constant 0 : index
      %get3A_298 = tpu.vector_load %arg10[%get3A] {strides = array<i32>} : memref<64xi32, #tpu.memory_space<vmem>>, vector<16xi32>,
      %get3A_299 = vector.shape_cast %get3A_298 : vector<16xi32> to vector<16xi32>
      %get3A_300 = arith.constant 32 : index
      %get3A_301 = tpu.vector_load %arg10[%get3A_300] {strides = array<i32>} : memref<64xi32, #tpu.memory_space<vmem>>, vector<16xi32>,
      %get3A_302 = vector.shape_cast %get3A_301 : vector<16xi32> to vector<16xi32>
      %ge3A = vector.broadcast %mul3A_78 : i32 to vector<16xi32>
      %ge3A_303 = arith.cmpi sge, %get3A_299, %ge3A : vector<16xi32>
      %add3A_304 = arith.constant 320 : i32
      %add3A_305 = arith.addi %mul3A_78, %add3A_304 : i32
      %lt3A_306 = vector.broadcast %add3A_305 : i32 to vector<16xi32>
      %lt3A_307 = arith.cmpi slt, %get3A_299, %lt3A_306 : vector<16xi32>
      %and3A = arith.andi %ge3A_303, %lt3A_307 : vector<16xi1>
      %shift_right_arithmetic3A = arith.constant 7 : i32
      %shift_right_arithmetic3A_308 = vector.broadcast %shift_right_arithmetic3A : i32 to vector<16xi32>
      %shift_right_arithmetic3A_309 = arith.shrsi %get3A_302, %shift_right_arithmetic3A_308 : vector<16xi32>
      %mul3A_310 = arith.constant 40960 : i32
      %mul3A_311 = vector.broadcast %mul3A_310 : i32 to vector<16xi32>
      %mul3A_312 = arith.muli %shift_right_arithmetic3A_309, %mul3A_311 : vector<16xi32>
      %sub3A = vector.broadcast %mul3A_78 : i32 to vector<16xi32>
      %sub3A_313 = arith.subi %get3A_299, %sub3A : vector<16xi32>
      %mul3A_314 = arith.constant 128 : i32
      %mul3A_315 = vector.broadcast %mul3A_314 : i32 to vector<16xi32>
      %mul3A_316 = arith.muli %sub3A_313, %mul3A_315 : vector<16xi32>
      %add3A_317 = arith.addi %mul3A_312, %mul3A_316 : vector<16xi32>
      %and3A_318 = arith.constant 127 : i32
      %and3A_319 = vector.broadcast %and3A_318 : i32 to vector<16xi32>
      %and3A_320 = arith.andi %get3A_302, %and3A_319 : vector<16xi32>
      %add3A_321 = arith.addi %add3A_317, %and3A_320 : vector<16xi32>
      %add3A_322 = arith.constant 0 : i32
      %add3A_323 = vector.broadcast %add3A_322 : i32 to vector<16xi32>
      %add3A_324 = arith.addi %add3A_323, %iota3A : vector<16xi32>
      %select_n3A = arith.select %and3A, %add3A_321, %add3A_324 : vector<16xi1>, vector<16xi32>
      %swap3A = arith.constant 0 : index
      %swap3A_325 = tpu.vector_load %arg12[%swap3A] {strides = array<i32>} : memref<128xi32, #tpu.memory_space<vmem>>, vector<16xi32>,
      %swap3A_326 = vector.shape_cast %swap3A_325 : vector<16xi32> to vector<16xi32>
      %swap3A_327 = vector.shape_cast %select_n3A : vector<16xi32> to vector<16xi32>
      tpu.vector_store %arg12[%swap3A], %swap3A_327 {strides = array<i32>} : memref<128xi32, #tpu.memory_space<vmem>>, vector<16xi32>,
      %jit3A = arith.constant 1.000000e+00 : f32
      %jit3A_328 = arith.constant 0.000000e+00 : f32
      %broadcast_in_dim3A_329 = vector.broadcast %jit3A : f32 to vector<16xf32>
      %broadcast_in_dim3A_330 = vector.broadcast %jit3A_328 : f32 to vector<16xf32>
      %select_n3A_331 = arith.select %and3A, %broadcast_in_dim3A_329, %broadcast_in_dim3A_330 : vector<16xi1>, vector<16xf32>
      %swap3A_332 = arith.constant 0 : index
      %swap3A_333 = tpu.vector_load %arg23[%swap3A_332] {strides = array<i32>} : memref<128xf32, #tpu.memory_space<vmem>>, vector<16xf32>,
      %swap3A_334 = vector.shape_cast %swap3A_333 : vector<16xf32> to vector<16xf32>
      %swap3A_335 = vector.shape_cast %select_n3A_331 : vector<16xf32> to vector<16xf32>
      tpu.vector_store %arg23[%swap3A_332], %swap3A_335 {strides = array<i32>} : memref<128xf32, #tpu.memory_space<vmem>>, vector<16xf32>,
      %get3A_336 = arith.constant 16 : index
      %get3A_337 = tpu.vector_load %arg10[%get3A_336] {strides = array<i32>} : memref<64xi32, #tpu.memory_space<vmem>>, vector<16xi32>,
      %get3A_338 = vector.shape_cast %get3A_337 : vector<16xi32> to vector<16xi32>
      %get3A_339 = arith.constant 48 : index
      %get3A_340 = tpu.vector_load %arg10[%get3A_339] {strides = array<i32>} : memref<64xi32, #tpu.memory_space<vmem>>, vector<16xi32>,
      %get3A_341 = vector.shape_cast %get3A_340 : vector<16xi32> to vector<16xi32>
      %ge3A_342 = vector.broadcast %mul3A_78 : i32 to vector<16xi32>
      %ge3A_343 = arith.cmpi sge, %get3A_338, %ge3A_342 : vector<16xi32>
      %add3A_344 = arith.constant 320 : i32
      %add3A_345 = arith.addi %mul3A_78, %add3A_344 : i32
      %lt3A_346 = vector.broadcast %add3A_345 : i32 to vector<16xi32>
      %lt3A_347 = arith.cmpi slt, %get3A_338, %lt3A_346 : vector<16xi32>
      %and3A_348 = arith.andi %ge3A_343, %lt3A_347 : vector<16xi1>
      %shift_right_arithmetic3A_349 = arith.constant 7 : i32
      %shift_right_arithmetic3A_350 = vector.broadcast %shift_right_arithmetic3A_349 : i32 to vector<16xi32>
      %shift_right_arithmetic3A_351 = arith.shrsi %get3A_341, %shift_right_arithmetic3A_350 : vector<16xi32>
      %mul3A_352 = arith.constant 40960 : i32
      %mul3A_353 = vector.broadcast %mul3A_352 : i32 to vector<16xi32>
      %mul3A_354 = arith.muli %shift_right_arithmetic3A_351, %mul3A_353 : vector<16xi32>
      %sub3A_355 = vector.broadcast %mul3A_78 : i32 to vector<16xi32>
      %sub3A_356 = arith.subi %get3A_338, %sub3A_355 : vector<16xi32>
      %mul3A_357 = arith.constant 128 : i32
      %mul3A_358 = vector.broadcast %mul3A_357 : i32 to vector<16xi32>
      %mul3A_359 = arith.muli %sub3A_356, %mul3A_358 : vector<16xi32>
      %add3A_360 = arith.addi %mul3A_354, %mul3A_359 : vector<16xi32>
      %and3A_361 = arith.constant 127 : i32
      %and3A_362 = vector.broadcast %and3A_361 : i32 to vector<16xi32>
      %and3A_363 = arith.andi %get3A_341, %and3A_362 : vector<16xi32>
      %add3A_364 = arith.addi %add3A_360, %and3A_363 : vector<16xi32>
      %add3A_365 = arith.constant 16 : i32
      %add3A_366 = vector.broadcast %add3A_365 : i32 to vector<16xi32>
      %add3A_367 = arith.addi %add3A_366, %iota3A : vector<16xi32>
      %select_n3A_368 = arith.select %and3A_348, %add3A_364, %add3A_367 : vector<16xi1>, vector<16xi32>
      %swap3A_369 = arith.constant 16 : index
      %swap3A_370 = tpu.vector_load %arg12[%swap3A_369] {strides = array<i32>} : memref<128xi32, #tpu.memory_space<vmem>>, vector<16xi32>,
      %swap3A_371 = vector.shape_cast %swap3A_370 : vector<16xi32> to vector<16xi32>
      %swap3A_372 = vector.shape_cast %select_n3A_368 : vector<16xi32> to vector<16xi32>
      tpu.vector_store %arg12[%swap3A_369], %swap3A_372 {strides = array<i32>} : memref<128xi32, #tpu.memory_space<vmem>>, vector<16xi32>,
      %jit3A_373 = arith.constant 1.000000e+00 : f32
      %jit3A_374 = arith.constant 0.000000e+00 : f32
      %broadcast_in_dim3A_375 = vector.broadcast %jit3A_373 : f32 to vector<16xf32>
      %broadcast_in_dim3A_376 = vector.broadcast %jit3A_374 : f32 to vector<16xf32>
      %select_n3A_377 = arith.select %and3A_348, %broadcast_in_dim3A_375, %broadcast_in_dim3A_376 : vector<16xi1>, vector<16xf32>
      %swap3A_378 = arith.constant 16 : index
      %swap3A_379 = tpu.vector_load %arg23[%swap3A_378] {strides = array<i32>} : memref<128xf32, #tpu.memory_space<vmem>>, vector<16xf32>,
      %swap3A_380 = vector.shape_cast %swap3A_379 : vector<16xf32> to vector<16xf32>
      %swap3A_381 = vector.shape_cast %select_n3A_377 : vector<16xf32> to vector<16xf32>
      tpu.vector_store %arg23[%swap3A_378], %swap3A_381 {strides = array<i32>} : memref<128xf32, #tpu.memory_space<vmem>>, vector<16xf32>,
    } else {
    }
    %mul3A_144 = arith.constant 64 : i32
    %mul3A_145 = arith.muli %arg0, %mul3A_144 : i32
    %scan3A_146 = arith.constant 0 : i32
    %scan3A_147 = arith.constant 0 : i32
    %scan3A_148 = arith.constant 8 : i32
    %scan3A_149 = arith.addi %scan3A_147, %scan3A_148 : i32
    %scan3A_150 = arith.constant 1 : i32
    scf.for %scan3A_298 = %scan3A_147 to %scan3A_149 step %scan3A_150  : i32 {
      %mul3A_299 = arith.constant 16 : i32
      %mul3A_300 = arith.muli %scan3A_298, %mul3A_299 : i32
      %get3A = arith.constant 0 : i32
      %get3A_301 = arith.index_cast %get3A : i32 to index
      %get3A_302 = arith.index_cast %mul3A_300 : i32 to index
      %get3A_303 = tpu.vector_load %arg11[%get3A_301, %get3A_302] {strides = array<i32>} : memref<2x128xi32, #tpu.memory_space<vmem>>, vector<1x16xi32>,
      %get3A_304 = vector.shape_cast %get3A_303 : vector<1x16xi32> to vector<16xi32>
      %get3A_305 = arith.constant 1 : i32
      %get3A_306 = arith.index_cast %get3A_305 : i32 to index
      %get3A_307 = arith.index_cast %mul3A_300 : i32 to index
      %get3A_308 = tpu.vector_load %arg11[%get3A_306, %get3A_307] {strides = array<i32>} : memref<2x128xi32, #tpu.memory_space<vmem>>, vector<1x16xi32>,
      %get3A_309 = vector.shape_cast %get3A_308 : vector<1x16xi32> to vector<16xi32>
      %mul3A_310 = arith.constant 128 : i32
      %mul3A_311 = arith.muli %arg1, %mul3A_310 : i32
      %add3A_312 = arith.addi %mul3A_311, %mul3A_300 : i32
      %add3A_313 = vector.broadcast %add3A_312 : i32 to vector<16xi32>
      %add3A_314 = arith.addi %add3A_313, %iota3A : vector<16xi32>
      %lt3A_315 = arith.constant 1408 : i32
      %lt3A_316 = vector.broadcast %lt3A_315 : i32 to vector<16xi32>
      %lt3A_317 = arith.cmpi slt, %add3A_314, %lt3A_316 : vector<16xi32>
      %ge3A = vector.broadcast %mul3A_145 : i32 to vector<16xi32>
      %ge3A_318 = arith.cmpi sge, %get3A_304, %ge3A : vector<16xi32>
      %and3A = arith.andi %lt3A_317, %ge3A_318 : vector<16xi1>
      %add3A_319 = arith.constant 64 : i32
      %add3A_320 = arith.addi %mul3A_145, %add3A_319 : i32
      %lt3A_321 = vector.broadcast %add3A_320 : i32 to vector<16xi32>
      %lt3A_322 = arith.cmpi slt, %get3A_304, %lt3A_321 : vector<16xi32>
      %and3A_323 = arith.andi %and3A, %lt3A_322 : vector<16xi1>
      %sub3A = vector.broadcast %mul3A_145 : i32 to vector<16xi32>
      %sub3A_324 = arith.subi %get3A_304, %sub3A : vector<16xi32>
      %mul3A_325 = arith.constant 128 : i32
      %mul3A_326 = vector.broadcast %mul3A_325 : i32 to vector<16xi32>
      %mul3A_327 = arith.muli %sub3A_324, %mul3A_326 : vector<16xi32>
      %add3A_328 = arith.addi %mul3A_327, %get3A_309 : vector<16xi32>
      %mul3A_329 = arith.constant 128 : i32
      %mul3A_330 = arith.muli %arg1, %mul3A_329 : i32
      %add3A_331 = arith.addi %mul3A_330, %mul3A_300 : i32
      %add3A_332 = vector.broadcast %add3A_331 : i32 to vector<16xi32>
      %add3A_333 = arith.addi %add3A_332, %iota3A : vector<16xi32>
      %select_n3A = arith.select %and3A_323, %add3A_328, %add3A_333 : vector<16xi1>, vector<16xi32>
      %swap3A = arith.index_cast %mul3A_300 : i32 to index
      %swap3A_334 = tpu.vector_load %arg22[%swap3A] {strides = array<i32>} : memref<128xi32, #tpu.memory_space<vmem>>, vector<16xi32>,
      %swap3A_335 = vector.shape_cast %swap3A_334 : vector<16xi32> to vector<16xi32>
      %swap3A_336 = vector.shape_cast %select_n3A : vector<16xi32> to vector<16xi32>
      tpu.vector_store %arg22[%swap3A], %swap3A_336 {strides = array<i32>} : memref<128xi32, #tpu.memory_space<vmem>>, vector<16xi32>,
      %jit3A = arith.constant 1.000000e+00 : f32
      %jit3A_337 = arith.constant 0.000000e+00 : f32
      %broadcast_in_dim3A_338 = vector.broadcast %jit3A : f32 to vector<16xf32>
      %broadcast_in_dim3A_339 = vector.broadcast %jit3A_337 : f32 to vector<16xf32>
      %select_n3A_340 = arith.select %and3A_323, %broadcast_in_dim3A_338, %broadcast_in_dim3A_339 : vector<16xi1>, vector<16xf32>
      %swap3A_341 = arith.index_cast %mul3A_300 : i32 to index
      %swap3A_342 = tpu.vector_load %arg33[%swap3A_341] {strides = array<i32>} : memref<128xf32, #tpu.memory_space<vmem>>, vector<16xf32>,
      %swap3A_343 = vector.shape_cast %swap3A_342 : vector<16xf32> to vector<16xf32>
      %swap3A_344 = vector.shape_cast %select_n3A_340 : vector<16xf32> to vector<16xf32>
      tpu.vector_store %arg33[%swap3A_341], %swap3A_344 {strides = array<i32>} : memref<128xf32, #tpu.memory_space<vmem>>, vector<16xf32>,
    }
    %scan3A_151 = arith.constant 8 : i32
    %dma_wait3A = tpu.memref_slice %arg7[%add3A_23] : memref<204800xf32, #tpu.memory_space<vmem_shared>> -> memref<2560xf32, #tpu.memory_space<vmem_shared>>
    %dma_wait3A_152 = tpu.memref_slice %arg7[%add3A_23] : memref<204800xf32, #tpu.memory_space<vmem_shared>> -> memref<2560xf32, #tpu.memory_space<vmem_shared>>
    tpu.wait_dma2 semaphore(%arg35 : memref<!tpu.dma_semaphore, #tpu.memory_space<semaphore_mem>>) src(%arg34 : memref<2560xf32, #tpu.memory_space<vmem>>) dst(%dma_wait3A_152 : memref<2560xf32, #tpu.memory_space<vmem_shared>>)
    %dma_wait3A_153 = tpu.memref_slice %arg7[%add3A_28] : memref<204800xf32, #tpu.memory_space<vmem_shared>> -> memref<2560xf32, #tpu.memory_space<vmem_shared>>
    %dma_wait3A_154 = tpu.memref_slice %arg7[%add3A_28] : memref<204800xf32, #tpu.memory_space<vmem_shared>> -> memref<2560xf32, #tpu.memory_space<vmem_shared>>
    tpu.wait_dma2 semaphore(%arg35 : memref<!tpu.dma_semaphore, #tpu.memory_space<semaphore_mem>>) src(%arg34 : memref<2560xf32, #tpu.memory_space<vmem>>) dst(%dma_wait3A_154 : memref<2560xf32, #tpu.memory_space<vmem_shared>>)
    %dma_wait3A_155 = tpu.memref_slice %arg7[%add3A_34] : memref<204800xf32, #tpu.memory_space<vmem_shared>> -> memref<2560xf32, #tpu.memory_space<vmem_shared>>
    %dma_wait3A_156 = tpu.memref_slice %arg7[%add3A_34] : memref<204800xf32, #tpu.memory_space<vmem_shared>> -> memref<2560xf32, #tpu.memory_space<vmem_shared>>
    tpu.wait_dma2 semaphore(%arg35 : memref<!tpu.dma_semaphore, #tpu.memory_space<semaphore_mem>>) src(%arg34 : memref<2560xf32, #tpu.memory_space<vmem>>) dst(%dma_wait3A_156 : memref<2560xf32, #tpu.memory_space<vmem_shared>>)
    %dma_wait3A_157 = tpu.memref_slice %arg7[%add3A_40] : memref<204800xf32, #tpu.memory_space<vmem_shared>> -> memref<2560xf32, #tpu.memory_space<vmem_shared>>
    %dma_wait3A_158 = tpu.memref_slice %arg7[%add3A_40] : memref<204800xf32, #tpu.memory_space<vmem_shared>> -> memref<2560xf32, #tpu.memory_space<vmem_shared>>
    tpu.wait_dma2 semaphore(%arg35 : memref<!tpu.dma_semaphore, #tpu.memory_space<semaphore_mem>>) src(%arg34 : memref<2560xf32, #tpu.memory_space<vmem>>) dst(%dma_wait3A_158 : memref<2560xf32, #tpu.memory_space<vmem_shared>>)
    %dma_wait3A_159 = tpu.memref_slice %arg7[%add3A_46] : memref<204800xf32, #tpu.memory_space<vmem_shared>> -> memref<2560xf32, #tpu.memory_space<vmem_shared>>
    %dma_wait3A_160 = tpu.memref_slice %arg7[%add3A_46] : memref<204800xf32, #tpu.memory_space<vmem_shared>> -> memref<2560xf32, #tpu.memory_space<vmem_shared>>
    tpu.wait_dma2 semaphore(%arg35 : memref<!tpu.dma_semaphore, #tpu.memory_space<semaphore_mem>>) src(%arg34 : memref<2560xf32, #tpu.memory_space<vmem>>) dst(%dma_wait3A_160 : memref<2560xf32, #tpu.memory_space<vmem_shared>>)
    %dma_wait3A_161 = arith.constant 0 : i32
    %dma_wait3A_162 = tpu.memref_slice %arg34[%dma_wait3A_161] : memref<2560xf32, #tpu.memory_space<vmem>> -> memref<512xf32, #tpu.memory_space<vmem>>
    %dma_wait3A_163 = tpu.memref_slice %arg8[%mul3A_50] : memref<8192xf32, #tpu.memory_space<vmem_shared>> -> memref<512xf32, #tpu.memory_space<vmem_shared>>
    %dma_wait3A_164 = tpu.memref_slice %arg8[%mul3A_50] : memref<8192xf32, #tpu.memory_space<vmem_shared>> -> memref<512xf32, #tpu.memory_space<vmem_shared>>
    %dma_wait3A_165 = arith.constant 0 : i32
    %dma_wait3A_166 = tpu.memref_slice %arg34[%dma_wait3A_165] : memref<2560xf32, #tpu.memory_space<vmem>> -> memref<512xf32, #tpu.memory_space<vmem>>
    tpu.wait_dma2 semaphore(%arg35 : memref<!tpu.dma_semaphore, #tpu.memory_space<semaphore_mem>>) src(%dma_wait3A_166 : memref<512xf32, #tpu.memory_space<vmem>>) dst(%dma_wait3A_164 : memref<512xf32, #tpu.memory_space<vmem_shared>>)
    %barrier3A = arith.constant 0 : index
    tpu.barrier barrier_id(%barrier3A)
    %dma_start3A_167 = arith.constant 0 : i32
    %dma_start3A_168 = tpu.memref_slice %arg7[%dma_start3A_167] : memref<204800xf32, #tpu.memory_space<vmem_shared>> -> memref<204800xf32, #tpu.memory_space<vmem_shared>>
    tpu.enqueue_indirect_dma source(%arg23 : memref<128xf32, #tpu.memory_space<vmem>>) target(%dma_start3A_168 : memref<204800xf32, #tpu.memory_space<vmem_shared>>) offsets(%arg12 : memref<128xi32, #tpu.memory_space<vmem>>) semaphore(%arg36 : memref<!tpu.dma_semaphore, #tpu.memory_space<semaphore_mem>>) {add = true}
    %dma_start3A_169 = arith.constant 0 : i32
    %dma_start3A_170 = tpu.memref_slice %arg7[%dma_start3A_169] : memref<204800xf32, #tpu.memory_space<vmem_shared>> -> memref<204800xf32, #tpu.memory_space<vmem_shared>>
    tpu.enqueue_indirect_dma source(%arg24 : memref<128xf32, #tpu.memory_space<vmem>>) target(%dma_start3A_170 : memref<204800xf32, #tpu.memory_space<vmem_shared>>) offsets(%arg13 : memref<128xi32, #tpu.memory_space<vmem>>) semaphore(%arg36 : memref<!tpu.dma_semaphore, #tpu.memory_space<semaphore_mem>>) {add = true}
    %dma_start3A_171 = arith.constant 0 : i32
    %dma_start3A_172 = tpu.memref_slice %arg7[%dma_start3A_171] : memref<204800xf32, #tpu.memory_space<vmem_shared>> -> memref<204800xf32, #tpu.memory_space<vmem_shared>>
    tpu.enqueue_indirect_dma source(%arg25 : memref<128xf32, #tpu.memory_space<vmem>>) target(%dma_start3A_172 : memref<204800xf32, #tpu.memory_space<vmem_shared>>) offsets(%arg14 : memref<128xi32, #tpu.memory_space<vmem>>) semaphore(%arg36 : memref<!tpu.dma_semaphore, #tpu.memory_space<semaphore_mem>>) {add = true}
    %dma_start3A_173 = arith.constant 0 : i32
    %dma_start3A_174 = tpu.memref_slice %arg7[%dma_start3A_173] : memref<204800xf32, #tpu.memory_space<vmem_shared>> -> memref<204800xf32, #tpu.memory_space<vmem_shared>>
    tpu.enqueue_indirect_dma source(%arg26 : memref<128xf32, #tpu.memory_space<vmem>>) target(%dma_start3A_174 : memref<204800xf32, #tpu.memory_space<vmem_shared>>) offsets(%arg15 : memref<128xi32, #tpu.memory_space<vmem>>) semaphore(%arg36 : memref<!tpu.dma_semaphore, #tpu.memory_space<semaphore_mem>>) {add = true}
    %dma_start3A_175 = arith.constant 0 : i32
    %dma_start3A_176 = tpu.memref_slice %arg7[%dma_start3A_175] : memref<204800xf32, #tpu.memory_space<vmem_shared>> -> memref<204800xf32, #tpu.memory_space<vmem_shared>>
    tpu.enqueue_indirect_dma source(%arg27 : memref<128xf32, #tpu.memory_space<vmem>>) target(%dma_start3A_176 : memref<204800xf32, #tpu.memory_space<vmem_shared>>) offsets(%arg16 : memref<128xi32, #tpu.memory_space<vmem>>) semaphore(%arg36 : memref<!tpu.dma_semaphore, #tpu.memory_space<semaphore_mem>>) {add = true}
    %dma_start3A_177 = arith.constant 0 : i32
    %dma_start3A_178 = tpu.memref_slice %arg7[%dma_start3A_177] : memref<204800xf32, #tpu.memory_space<vmem_shared>> -> memref<204800xf32, #tpu.memory_space<vmem_shared>>
    tpu.enqueue_indirect_dma source(%arg28 : memref<128xf32, #tpu.memory_space<vmem>>) target(%dma_start3A_178 : memref<204800xf32, #tpu.memory_space<vmem_shared>>) offsets(%arg17 : memref<128xi32, #tpu.memory_space<vmem>>) semaphore(%arg36 : memref<!tpu.dma_semaphore, #tpu.memory_space<semaphore_mem>>) {add = true}
    %dma_start3A_179 = arith.constant 0 : i32
    %dma_start3A_180 = tpu.memref_slice %arg7[%dma_start3A_179] : memref<204800xf32, #tpu.memory_space<vmem_shared>> -> memref<204800xf32, #tpu.memory_space<vmem_shared>>
    tpu.enqueue_indirect_dma source(%arg29 : memref<128xf32, #tpu.memory_space<vmem>>) target(%dma_start3A_180 : memref<204800xf32, #tpu.memory_space<vmem_shared>>) offsets(%arg18 : memref<128xi32, #tpu.memory_space<vmem>>) semaphore(%arg36 : memref<!tpu.dma_semaphore, #tpu.memory_space<semaphore_mem>>) {add = true}
    %dma_start3A_181 = arith.constant 0 : i32
    %dma_start3A_182 = tpu.memref_slice %arg7[%dma_start3A_181] : memref<204800xf32, #tpu.memory_space<vmem_shared>> -> memref<204800xf32, #tpu.memory_space<vmem_shared>>
    tpu.enqueue_indirect_dma source(%arg30 : memref<128xf32, #tpu.memory_space<vmem>>) target(%dma_start3A_182 : memref<204800xf32, #tpu.memory_space<vmem_shared>>) offsets(%arg19 : memref<128xi32, #tpu.memory_space<vmem>>) semaphore(%arg36 : memref<!tpu.dma_semaphore, #tpu.memory_space<semaphore_mem>>) {add = true}
    %dma_start3A_183 = arith.constant 0 : i32
    %dma_start3A_184 = tpu.memref_slice %arg7[%dma_start3A_183] : memref<204800xf32, #tpu.memory_space<vmem_shared>> -> memref<204800xf32, #tpu.memory_space<vmem_shared>>
    tpu.enqueue_indirect_dma source(%arg31 : memref<128xf32, #tpu.memory_space<vmem>>) target(%dma_start3A_184 : memref<204800xf32, #tpu.memory_space<vmem_shared>>) offsets(%arg20 : memref<128xi32, #tpu.memory_space<vmem>>) semaphore(%arg36 : memref<!tpu.dma_semaphore, #tpu.memory_space<semaphore_mem>>) {add = true}
    %dma_start3A_185 = arith.constant 0 : i32
    %dma_start3A_186 = tpu.memref_slice %arg7[%dma_start3A_185] : memref<204800xf32, #tpu.memory_space<vmem_shared>> -> memref<204800xf32, #tpu.memory_space<vmem_shared>>
    tpu.enqueue_indirect_dma source(%arg32 : memref<128xf32, #tpu.memory_space<vmem>>) target(%dma_start3A_186 : memref<204800xf32, #tpu.memory_space<vmem_shared>>) offsets(%arg21 : memref<128xi32, #tpu.memory_space<vmem>>) semaphore(%arg36 : memref<!tpu.dma_semaphore, #tpu.memory_space<semaphore_mem>>) {add = true}
    %dma_start3A_187 = arith.constant 0 : i32
    %dma_start3A_188 = tpu.memref_slice %arg8[%dma_start3A_187] : memref<8192xf32, #tpu.memory_space<vmem_shared>> -> memref<8192xf32, #tpu.memory_space<vmem_shared>>
    tpu.enqueue_indirect_dma source(%arg33 : memref<128xf32, #tpu.memory_space<vmem>>) target(%dma_start3A_188 : memref<8192xf32, #tpu.memory_space<vmem_shared>>) offsets(%arg22 : memref<128xi32, #tpu.memory_space<vmem>>) semaphore(%arg36 : memref<!tpu.dma_semaphore, #tpu.memory_space<semaphore_mem>>) {add = true}
    %dma_wait3A_189 = arith.constant 0 : i32
    %dma_wait3A_190 = tpu.memref_slice %arg7[%dma_wait3A_189] : memref<204800xf32, #tpu.memory_space<vmem_shared>> -> memref<204800xf32, #tpu.memory_space<vmem_shared>>
    tpu.wait_indirect_dma semaphore(%arg36 : memref<!tpu.dma_semaphore, #tpu.memory_space<semaphore_mem>>) src(%arg23 : memref<128xf32, #tpu.memory_space<vmem>>) dst(%dma_wait3A_190 : memref<204800xf32, #tpu.memory_space<vmem_shared>>)
    %dma_wait3A_191 = arith.constant 0 : i32
    %dma_wait3A_192 = tpu.memref_slice %arg7[%dma_wait3A_191] : memref<204800xf32, #tpu.memory_space<vmem_shared>> -> memref<204800xf32, #tpu.memory_space<vmem_shared>>
    tpu.wait_indirect_dma semaphore(%arg36 : memref<!tpu.dma_semaphore, #tpu.memory_space<semaphore_mem>>) src(%arg24 : memref<128xf32, #tpu.memory_space<vmem>>) dst(%dma_wait3A_192 : memref<204800xf32, #tpu.memory_space<vmem_shared>>)
    %dma_wait3A_193 = arith.constant 0 : i32
    %dma_wait3A_194 = tpu.memref_slice %arg7[%dma_wait3A_193] : memref<204800xf32, #tpu.memory_space<vmem_shared>> -> memref<204800xf32, #tpu.memory_space<vmem_shared>>
    tpu.wait_indirect_dma semaphore(%arg36 : memref<!tpu.dma_semaphore, #tpu.memory_space<semaphore_mem>>) src(%arg25 : memref<128xf32, #tpu.memory_space<vmem>>) dst(%dma_wait3A_194 : memref<204800xf32, #tpu.memory_space<vmem_shared>>)
    %dma_wait3A_195 = arith.constant 0 : i32
    %dma_wait3A_196 = tpu.memref_slice %arg7[%dma_wait3A_195] : memref<204800xf32, #tpu.memory_space<vmem_shared>> -> memref<204800xf32, #tpu.memory_space<vmem_shared>>
    tpu.wait_indirect_dma semaphore(%arg36 : memref<!tpu.dma_semaphore, #tpu.memory_space<semaphore_mem>>) src(%arg26 : memref<128xf32, #tpu.memory_space<vmem>>) dst(%dma_wait3A_196 : memref<204800xf32, #tpu.memory_space<vmem_shared>>)
    %dma_wait3A_197 = arith.constant 0 : i32
    %dma_wait3A_198 = tpu.memref_slice %arg7[%dma_wait3A_197] : memref<204800xf32, #tpu.memory_space<vmem_shared>> -> memref<204800xf32, #tpu.memory_space<vmem_shared>>
    tpu.wait_indirect_dma semaphore(%arg36 : memref<!tpu.dma_semaphore, #tpu.memory_space<semaphore_mem>>) src(%arg27 : memref<128xf32, #tpu.memory_space<vmem>>) dst(%dma_wait3A_198 : memref<204800xf32, #tpu.memory_space<vmem_shared>>)
    %dma_wait3A_199 = arith.constant 0 : i32
    %dma_wait3A_200 = tpu.memref_slice %arg7[%dma_wait3A_199] : memref<204800xf32, #tpu.memory_space<vmem_shared>> -> memref<204800xf32, #tpu.memory_space<vmem_shared>>
    tpu.wait_indirect_dma semaphore(%arg36 : memref<!tpu.dma_semaphore, #tpu.memory_space<semaphore_mem>>) src(%arg28 : memref<128xf32, #tpu.memory_space<vmem>>) dst(%dma_wait3A_200 : memref<204800xf32, #tpu.memory_space<vmem_shared>>)
    %dma_wait3A_201 = arith.constant 0 : i32
    %dma_wait3A_202 = tpu.memref_slice %arg7[%dma_wait3A_201] : memref<204800xf32, #tpu.memory_space<vmem_shared>> -> memref<204800xf32, #tpu.memory_space<vmem_shared>>
    tpu.wait_indirect_dma semaphore(%arg36 : memref<!tpu.dma_semaphore, #tpu.memory_space<semaphore_mem>>) src(%arg29 : memref<128xf32, #tpu.memory_space<vmem>>) dst(%dma_wait3A_202 : memref<204800xf32, #tpu.memory_space<vmem_shared>>)
    %dma_wait3A_203 = arith.constant 0 : i32
    %dma_wait3A_204 = tpu.memref_slice %arg7[%dma_wait3A_203] : memref<204800xf32, #tpu.memory_space<vmem_shared>> -> memref<204800xf32, #tpu.memory_space<vmem_shared>>
    tpu.wait_indirect_dma semaphore(%arg36 : memref<!tpu.dma_semaphore, #tpu.memory_space<semaphore_mem>>) src(%arg30 : memref<128xf32, #tpu.memory_space<vmem>>) dst(%dma_wait3A_204 : memref<204800xf32, #tpu.memory_space<vmem_shared>>)
    %dma_wait3A_205 = arith.constant 0 : i32
    %dma_wait3A_206 = tpu.memref_slice %arg7[%dma_wait3A_205] : memref<204800xf32, #tpu.memory_space<vmem_shared>> -> memref<204800xf32, #tpu.memory_space<vmem_shared>>
    tpu.wait_indirect_dma semaphore(%arg36 : memref<!tpu.dma_semaphore, #tpu.memory_space<semaphore_mem>>) src(%arg31 : memref<128xf32, #tpu.memory_space<vmem>>) dst(%dma_wait3A_206 : memref<204800xf32, #tpu.memory_space<vmem_shared>>)
    %dma_wait3A_207 = arith.constant 0 : i32
    %dma_wait3A_208 = tpu.memref_slice %arg7[%dma_wait3A_207] : memref<204800xf32, #tpu.memory_space<vmem_shared>> -> memref<204800xf32, #tpu.memory_space<vmem_shared>>
    tpu.wait_indirect_dma semaphore(%arg36 : memref<!tpu.dma_semaphore, #tpu.memory_space<semaphore_mem>>) src(%arg32 : memref<128xf32, #tpu.memory_space<vmem>>) dst(%dma_wait3A_208 : memref<204800xf32, #tpu.memory_space<vmem_shared>>)
    %dma_wait3A_209 = arith.constant 0 : i32
    %dma_wait3A_210 = tpu.memref_slice %arg8[%dma_wait3A_209] : memref<8192xf32, #tpu.memory_space<vmem_shared>> -> memref<8192xf32, #tpu.memory_space<vmem_shared>>
    tpu.wait_indirect_dma semaphore(%arg36 : memref<!tpu.dma_semaphore, #tpu.memory_space<semaphore_mem>>) src(%arg33 : memref<128xf32, #tpu.memory_space<vmem>>) dst(%dma_wait3A_210 : memref<8192xf32, #tpu.memory_space<vmem_shared>>)
    %barrier3A_211 = arith.constant 0 : index
    tpu.barrier barrier_id(%barrier3A_211)
    %mul3A_212 = arith.constant 2560 : i32
    %mul3A_213 = arith.muli %arg1, %mul3A_212 : i32
    %add3A_214 = arith.constant 0 : i32
    %add3A_215 = arith.addi %add3A_214, %mul3A_213 : i32
    %mul3A_216 = arith.constant 40960 : i32
    %mul3A_217 = arith.muli %arg0, %mul3A_216 : i32
    %add3A_218 = arith.constant 0 : i32
    %add3A_219 = arith.addi %add3A_218, %mul3A_217 : i32
    %mul3A_220 = arith.constant 2560 : i32
    %mul3A_221 = arith.muli %arg1, %mul3A_220 : i32
    %add3A_222 = arith.addi %add3A_219, %mul3A_221 : i32
    %dma_start3A_223 = tpu.memref_slice %arg5[%add3A_222] : memref<409600xf32, #tpu.memory_space<hbm>> -> memref<2560xf32, #tpu.memory_space<hbm>>
    %dma_start3A_224 = tpu.memref_slice %arg7[%add3A_215] : memref<204800xf32, #tpu.memory_space<vmem_shared>> -> memref<2560xf32, #tpu.memory_space<vmem_shared>>
    tpu.enqueue_dma source(%dma_start3A_224 : memref<2560xf32, #tpu.memory_space<vmem_shared>>) target(%dma_start3A_223 : memref<2560xf32, #tpu.memory_space<hbm>>) target_semaphore(%arg35 : memref<!tpu.dma_semaphore, #tpu.memory_space<semaphore_mem>>)
    %mul3A_225 = arith.constant 2560 : i32
    %mul3A_226 = arith.muli %arg1, %mul3A_225 : i32
    %add3A_227 = arith.constant 40960 : i32
    %add3A_228 = arith.addi %add3A_227, %mul3A_226 : i32
    %mul3A_229 = arith.constant 40960 : i32
    %mul3A_230 = arith.muli %arg0, %mul3A_229 : i32
    %add3A_231 = arith.constant 81920 : i32
    %add3A_232 = arith.addi %add3A_231, %mul3A_230 : i32
    %mul3A_233 = arith.constant 2560 : i32
    %mul3A_234 = arith.muli %arg1, %mul3A_233 : i32
    %add3A_235 = arith.addi %add3A_232, %mul3A_234 : i32
    %dma_start3A_236 = tpu.memref_slice %arg5[%add3A_235] : memref<409600xf32, #tpu.memory_space<hbm>> -> memref<2560xf32, #tpu.memory_space<hbm>>
    %dma_start3A_237 = tpu.memref_slice %arg7[%add3A_228] : memref<204800xf32, #tpu.memory_space<vmem_shared>> -> memref<2560xf32, #tpu.memory_space<vmem_shared>>
    tpu.enqueue_dma source(%dma_start3A_237 : memref<2560xf32, #tpu.memory_space<vmem_shared>>) target(%dma_start3A_236 : memref<2560xf32, #tpu.memory_space<hbm>>) target_semaphore(%arg35 : memref<!tpu.dma_semaphore, #tpu.memory_space<semaphore_mem>>)
    %mul3A_238 = arith.constant 2560 : i32
    %mul3A_239 = arith.muli %arg1, %mul3A_238 : i32
    %add3A_240 = arith.constant 81920 : i32
    %add3A_241 = arith.addi %add3A_240, %mul3A_239 : i32
    %mul3A_242 = arith.constant 40960 : i32
    %mul3A_243 = arith.muli %arg0, %mul3A_242 : i32
    %add3A_244 = arith.constant 163840 : i32
    %add3A_245 = arith.addi %add3A_244, %mul3A_243 : i32
    %mul3A_246 = arith.constant 2560 : i32
    %mul3A_247 = arith.muli %arg1, %mul3A_246 : i32
    %add3A_248 = arith.addi %add3A_245, %mul3A_247 : i32
    %dma_start3A_249 = tpu.memref_slice %arg5[%add3A_248] : memref<409600xf32, #tpu.memory_space<hbm>> -> memref<2560xf32, #tpu.memory_space<hbm>>
    %dma_start3A_250 = tpu.memref_slice %arg7[%add3A_241] : memref<204800xf32, #tpu.memory_space<vmem_shared>> -> memref<2560xf32, #tpu.memory_space<vmem_shared>>
    tpu.enqueue_dma source(%dma_start3A_250 : memref<2560xf32, #tpu.memory_space<vmem_shared>>) target(%dma_start3A_249 : memref<2560xf32, #tpu.memory_space<hbm>>) target_semaphore(%arg35 : memref<!tpu.dma_semaphore, #tpu.memory_space<semaphore_mem>>)
    %mul3A_251 = arith.constant 2560 : i32
    %mul3A_252 = arith.muli %arg1, %mul3A_251 : i32
    %add3A_253 = arith.constant 122880 : i32
    %add3A_254 = arith.addi %add3A_253, %mul3A_252 : i32
    %mul3A_255 = arith.constant 40960 : i32
    %mul3A_256 = arith.muli %arg0, %mul3A_255 : i32
    %add3A_257 = arith.constant 245760 : i32
    %add3A_258 = arith.addi %add3A_257, %mul3A_256 : i32
    %mul3A_259 = arith.constant 2560 : i32
    %mul3A_260 = arith.muli %arg1, %mul3A_259 : i32
    %add3A_261 = arith.addi %add3A_258, %mul3A_260 : i32
    %dma_start3A_262 = tpu.memref_slice %arg5[%add3A_261] : memref<409600xf32, #tpu.memory_space<hbm>> -> memref<2560xf32, #tpu.memory_space<hbm>>
    %dma_start3A_263 = tpu.memref_slice %arg7[%add3A_254] : memref<204800xf32, #tpu.memory_space<vmem_shared>> -> memref<2560xf32, #tpu.memory_space<vmem_shared>>
    tpu.enqueue_dma source(%dma_start3A_263 : memref<2560xf32, #tpu.memory_space<vmem_shared>>) target(%dma_start3A_262 : memref<2560xf32, #tpu.memory_space<hbm>>) target_semaphore(%arg35 : memref<!tpu.dma_semaphore, #tpu.memory_space<semaphore_mem>>)
    %mul3A_264 = arith.constant 2560 : i32
    %mul3A_265 = arith.muli %arg1, %mul3A_264 : i32
    %add3A_266 = arith.constant 163840 : i32
    %add3A_267 = arith.addi %add3A_266, %mul3A_265 : i32
    %mul3A_268 = arith.constant 40960 : i32
    %mul3A_269 = arith.muli %arg0, %mul3A_268 : i32
    %add3A_270 = arith.constant 327680 : i32
    %add3A_271 = arith.addi %add3A_270, %mul3A_269 : i32
    %mul3A_272 = arith.constant 2560 : i32
    %mul3A_273 = arith.muli %arg1, %mul3A_272 : i32
    %add3A_274 = arith.addi %add3A_271, %mul3A_273 : i32
    %dma_start3A_275 = tpu.memref_slice %arg5[%add3A_274] : memref<409600xf32, #tpu.memory_space<hbm>> -> memref<2560xf32, #tpu.memory_space<hbm>>
    %dma_start3A_276 = tpu.memref_slice %arg7[%add3A_267] : memref<204800xf32, #tpu.memory_space<vmem_shared>> -> memref<2560xf32, #tpu.memory_space<vmem_shared>>
    tpu.enqueue_dma source(%dma_start3A_276 : memref<2560xf32, #tpu.memory_space<vmem_shared>>) target(%dma_start3A_275 : memref<2560xf32, #tpu.memory_space<hbm>>) target_semaphore(%arg35 : memref<!tpu.dma_semaphore, #tpu.memory_space<semaphore_mem>>)
    %mul3A_277 = arith.constant 512 : i32
    %mul3A_278 = arith.muli %arg1, %mul3A_277 : i32
    %mul3A_279 = arith.constant 8192 : i32
    %mul3A_280 = arith.muli %arg0, %mul3A_279 : i32
    %mul3A_281 = arith.constant 512 : i32
    %mul3A_282 = arith.muli %arg1, %mul3A_281 : i32
    %add3A_283 = arith.addi %mul3A_280, %mul3A_282 : i32
    %dma_start3A_284 = tpu.memref_slice %arg6[%add3A_283] : memref<16384xf32, #tpu.memory_space<hbm>> -> memref<512xf32, #tpu.memory_space<hbm>>
    %dma_start3A_285 = tpu.memref_slice %arg8[%mul3A_278] : memref<8192xf32, #tpu.memory_space<vmem_shared>> -> memref<512xf32, #tpu.memory_space<vmem_shared>>
    tpu.enqueue_dma source(%dma_start3A_285 : memref<512xf32, #tpu.memory_space<vmem_shared>>) target(%dma_start3A_284 : memref<512xf32, #tpu.memory_space<hbm>>) target_semaphore(%arg35 : memref<!tpu.dma_semaphore, #tpu.memory_space<semaphore_mem>>)
    %dma_wait3A_286 = tpu.memref_slice %arg5[%add3A_222] : memref<409600xf32, #tpu.memory_space<hbm>> -> memref<2560xf32, #tpu.memory_space<hbm>>
    %dma_wait3A_287 = tpu.memref_slice %arg7[%add3A_215] : memref<204800xf32, #tpu.memory_space<vmem_shared>> -> memref<2560xf32, #tpu.memory_space<vmem_shared>>
    tpu.wait_dma2 semaphore(%arg35 : memref<!tpu.dma_semaphore, #tpu.memory_space<semaphore_mem>>) src(%dma_wait3A_287 : memref<2560xf32, #tpu.memory_space<vmem_shared>>) dst(%dma_wait3A_286 : memref<2560xf32, #tpu.memory_space<hbm>>)
    %dma_wait3A_288 = tpu.memref_slice %arg5[%add3A_235] : memref<409600xf32, #tpu.memory_space<hbm>> -> memref<2560xf32, #tpu.memory_space<hbm>>
    %dma_wait3A_289 = tpu.memref_slice %arg7[%add3A_228] : memref<204800xf32, #tpu.memory_space<vmem_shared>> -> memref<2560xf32, #tpu.memory_space<vmem_shared>>
    tpu.wait_dma2 semaphore(%arg35 : memref<!tpu.dma_semaphore, #tpu.memory_space<semaphore_mem>>) src(%dma_wait3A_289 : memref<2560xf32, #tpu.memory_space<vmem_shared>>) dst(%dma_wait3A_288 : memref<2560xf32, #tpu.memory_space<hbm>>)
    %dma_wait3A_290 = tpu.memref_slice %arg5[%add3A_248] : memref<409600xf32, #tpu.memory_space<hbm>> -> memref<2560xf32, #tpu.memory_space<hbm>>
    %dma_wait3A_291 = tpu.memref_slice %arg7[%add3A_241] : memref<204800xf32, #tpu.memory_space<vmem_shared>> -> memref<2560xf32, #tpu.memory_space<vmem_shared>>
    tpu.wait_dma2 semaphore(%arg35 : memref<!tpu.dma_semaphore, #tpu.memory_space<semaphore_mem>>) src(%dma_wait3A_291 : memref<2560xf32, #tpu.memory_space<vmem_shared>>) dst(%dma_wait3A_290 : memref<2560xf32, #tpu.memory_space<hbm>>)
    %dma_wait3A_292 = tpu.memref_slice %arg5[%add3A_261] : memref<409600xf32, #tpu.memory_space<hbm>> -> memref<2560xf32, #tpu.memory_space<hbm>>
    %dma_wait3A_293 = tpu.memref_slice %arg7[%add3A_254] : memref<204800xf32, #tpu.memory_space<vmem_shared>> -> memref<2560xf32, #tpu.memory_space<vmem_shared>>
    tpu.wait_dma2 semaphore(%arg35 : memref<!tpu.dma_semaphore, #tpu.memory_space<semaphore_mem>>) src(%dma_wait3A_293 : memref<2560xf32, #tpu.memory_space<vmem_shared>>) dst(%dma_wait3A_292 : memref<2560xf32, #tpu.memory_space<hbm>>)
    %dma_wait3A_294 = tpu.memref_slice %arg5[%add3A_274] : memref<409600xf32, #tpu.memory_space<hbm>> -> memref<2560xf32, #tpu.memory_space<hbm>>
    %dma_wait3A_295 = tpu.memref_slice %arg7[%add3A_267] : memref<204800xf32, #tpu.memory_space<vmem_shared>> -> memref<2560xf32, #tpu.memory_space<vmem_shared>>
    tpu.wait_dma2 semaphore(%arg35 : memref<!tpu.dma_semaphore, #tpu.memory_space<semaphore_mem>>) src(%dma_wait3A_295 : memref<2560xf32, #tpu.memory_space<vmem_shared>>) dst(%dma_wait3A_294 : memref<2560xf32, #tpu.memory_space<hbm>>)
    %dma_wait3A_296 = tpu.memref_slice %arg6[%add3A_283] : memref<16384xf32, #tpu.memory_space<hbm>> -> memref<512xf32, #tpu.memory_space<hbm>>
    %dma_wait3A_297 = tpu.memref_slice %arg8[%mul3A_278] : memref<8192xf32, #tpu.memory_space<vmem_shared>> -> memref<512xf32, #tpu.memory_space<vmem_shared>>
    tpu.wait_dma2 semaphore(%arg35 : memref<!tpu.dma_semaphore, #tpu.memory_space<semaphore_mem>>) src(%dma_wait3A_297 : memref<512xf32, #tpu.memory_space<vmem_shared>>) dst(%dma_wait3A_296 : memref<512xf32, #tpu.memory_space<hbm>>)
    return
  }
}

module attributes {stable_mosaic.version = 14 : i64} {
  func.func @_tc_body(%arg0: memref<5x640x128xf32, #tpu.memory_space<vmem>>, %arg1: memref<128x128xf32, #tpu.memory_space<vmem>>, %arg2: memref<585x585xf32, #tpu.memory_space<vmem>>, %arg3: memref<88x88xf32, #tpu.memory_space<vmem>>, %arg4: memref<585x128xf32, #tpu.memory_space<vmem>>, %arg5: memref<88x128xf32, #tpu.memory_space<vmem>>, %arg6: memref<128x128xf32, #tpu.memory_space<vmem>>, %arg7: memref<1x128xf32, #tpu.memory_space<vmem>>, %arg8: memref<128x128xf32, #tpu.memory_space<vmem>>, %arg9: memref<1x128xf32, #tpu.memory_space<vmem>>, %arg10: memref<128x128xf32, #tpu.memory_space<vmem>>, %arg11: memref<1x128xf32, #tpu.memory_space<vmem>>, %arg12: memref<128x128xf32, #tpu.memory_space<vmem>>, %arg13: memref<1x128xf32, #tpu.memory_space<vmem>>, %arg14: memref<585x128xf32, #tpu.memory_space<vmem>>, %arg15: memref<585x256xf32, #tpu.memory_space<vmem>>, %arg16: memref<88x256xf32, #tpu.memory_space<vmem>>) attributes {dimension_semantics = [], scalar_prefetch = 0 : i64, scratch_operands = 0 : i64, tpu.core_type = #tpu.core_type<tc>} {
    %get3A = arith.constant 0 : index
    %get3A_0 = arith.constant 0 : index
    %get3A_1 = arith.constant 0 : index
    %get3A_2 = vector.load %arg0[%get3A, %get3A_0, %get3A_1] : memref<5x640x128xf32, #tpu.memory_space<vmem>>, vector<1x585x128xf32>
    %get3A_3 = vector.shape_cast %get3A_2 : vector<1x585x128xf32> to vector<585x128xf32>
    %get3A_4 = arith.constant 0 : index
    %get3A_5 = arith.constant 0 : index
    %get3A_6 = vector.load %arg2[%get3A_4, %get3A_5] : memref<585x585xf32, #tpu.memory_space<vmem>>, vector<585x128xf32>
    %mul3A = arith.mulf %get3A_3, %get3A_6 : vector<585x128xf32>
    %get3A_7 = arith.constant 1 : index
    %get3A_8 = arith.constant 0 : index
    %get3A_9 = arith.constant 0 : index
    %get3A_10 = vector.load %arg0[%get3A_7, %get3A_8, %get3A_9] : memref<5x640x128xf32, #tpu.memory_space<vmem>>, vector<1x585x128xf32>
    %get3A_11 = vector.shape_cast %get3A_10 : vector<1x585x128xf32> to vector<585x128xf32>
    %get3A_12 = arith.constant 0 : index
    %get3A_13 = arith.constant 128 : index
    %get3A_14 = vector.load %arg2[%get3A_12, %get3A_13] : memref<585x585xf32, #tpu.memory_space<vmem>>, vector<585x128xf32>
    %mul3A_15 = arith.mulf %get3A_11, %get3A_14 : vector<585x128xf32>
    %get3A_16 = arith.constant 2 : index
    %get3A_17 = arith.constant 0 : index
    %get3A_18 = arith.constant 0 : index
    %get3A_19 = vector.load %arg0[%get3A_16, %get3A_17, %get3A_18] : memref<5x640x128xf32, #tpu.memory_space<vmem>>, vector<1x585x128xf32>
    %get3A_20 = vector.shape_cast %get3A_19 : vector<1x585x128xf32> to vector<585x128xf32>
    %get3A_21 = arith.constant 0 : index
    %get3A_22 = arith.constant 256 : index
    %get3A_23 = vector.load %arg2[%get3A_21, %get3A_22] : memref<585x585xf32, #tpu.memory_space<vmem>>, vector<585x128xf32>
    %mul3A_24 = arith.mulf %get3A_20, %get3A_23 : vector<585x128xf32>
    %get3A_25 = arith.constant 3 : index
    %get3A_26 = arith.constant 0 : index
    %get3A_27 = arith.constant 0 : index
    %get3A_28 = vector.load %arg0[%get3A_25, %get3A_26, %get3A_27] : memref<5x640x128xf32, #tpu.memory_space<vmem>>, vector<1x585x128xf32>
    %get3A_29 = vector.shape_cast %get3A_28 : vector<1x585x128xf32> to vector<585x128xf32>
    %get3A_30 = arith.constant 0 : index
    %get3A_31 = arith.constant 384 : index
    %get3A_32 = vector.load %arg2[%get3A_30, %get3A_31] : memref<585x585xf32, #tpu.memory_space<vmem>>, vector<585x128xf32>
    %mul3A_33 = arith.mulf %get3A_29, %get3A_32 : vector<585x128xf32>
    %get3A_34 = arith.constant 4 : index
    %get3A_35 = arith.constant 0 : index
    %get3A_36 = arith.constant 0 : index
    %get3A_37 = vector.load %arg0[%get3A_34, %get3A_35, %get3A_36] : memref<5x640x128xf32, #tpu.memory_space<vmem>>, vector<1x585x73xf32>
    %get3A_38 = vector.shape_cast %get3A_37 : vector<1x585x73xf32> to vector<585x73xf32>
    %get3A_39 = arith.constant 0 : index
    %get3A_40 = arith.constant 512 : index
    %get3A_41 = vector.load %arg2[%get3A_39, %get3A_40] : memref<585x585xf32, #tpu.memory_space<vmem>>, vector<585x73xf32>
    %mul3A_42 = arith.mulf %get3A_38, %get3A_41 : vector<585x73xf32>
    %get3A_43 = arith.constant 0 : index
    %get3A_44 = arith.constant 0 : index
    %get3A_45 = vector.load %arg1[%get3A_43, %get3A_44] : memref<128x128xf32, #tpu.memory_space<vmem>>, vector<88x88xf32>
    %get3A_46 = arith.constant 0 : index
    %get3A_47 = arith.constant 0 : index
    %get3A_48 = vector.load %arg3[%get3A_46, %get3A_47] : memref<88x88xf32, #tpu.memory_space<vmem>>, vector<88x88xf32>
    %mul3A_49 = arith.mulf %get3A_45, %get3A_48 : vector<88x88xf32>
    %get3A_50 = arith.constant 0 : index
    %get3A_51 = arith.constant 0 : index
    %get3A_52 = vector.load %arg4[%get3A_50, %get3A_51] : memref<585x128xf32, #tpu.memory_space<vmem>>, vector<585x128xf32>
    %get3A_53 = arith.constant 0 : index
    %get3A_54 = arith.constant 0 : index
    %get3A_55 = vector.load %arg6[%get3A_53, %get3A_54] : memref<128x128xf32, #tpu.memory_space<vmem>>, vector<128x128xf32>
    %get3A_56 = arith.constant 0 : index
    %get3A_57 = arith.constant 0 : index
    %get3A_58 = vector.load %arg7[%get3A_56, %get3A_57] : memref<1x128xf32, #tpu.memory_space<vmem>>, vector<1x128xf32>
    %get3A_59 = arith.constant 0 : index
    %get3A_60 = arith.constant 0 : index
    %get3A_61 = vector.load %arg8[%get3A_59, %get3A_60] : memref<128x128xf32, #tpu.memory_space<vmem>>, vector<128x128xf32>
    %get3A_62 = arith.constant 0 : index
    %get3A_63 = arith.constant 0 : index
    %get3A_64 = vector.load %arg9[%get3A_62, %get3A_63] : memref<1x128xf32, #tpu.memory_space<vmem>>, vector<1x128xf32>
    %broadcast_in_dim3A = arith.constant 1.000000e+00 : f32
    %broadcast_in_dim3A_65 = vector.broadcast %broadcast_in_dim3A : f32 to vector<585x1xf32>
    %dot_general3A = arith.constant dense<0.000000e+00> : vector<128x1xf32>
    %dot_general3A_66 = tpu.matmul %mul3A, %broadcast_in_dim3A_65, %dot_general3A {dimension_numbers = #tpu.dot_dimension_numbers<[0], [0], [1], [1], [0, 1, 1, 1], [], []>, transpose_lhs_hint = false} : vector<585x128xf32>, vector<585x1xf32>, vector<128x1xf32> -> vector<128x1xf32>
    %dot_general3A_67 = arith.constant dense<0.000000e+00> : vector<128x1xf32>
    %dot_general3A_68 = tpu.matmul %mul3A_15, %broadcast_in_dim3A_65, %dot_general3A_67 {dimension_numbers = #tpu.dot_dimension_numbers<[0], [0], [1], [1], [0, 1, 1, 1], [], []>, transpose_lhs_hint = false} : vector<585x128xf32>, vector<585x1xf32>, vector<128x1xf32> -> vector<128x1xf32>
    %dot_general3A_69 = arith.constant dense<0.000000e+00> : vector<128x1xf32>
    %dot_general3A_70 = tpu.matmul %mul3A_24, %broadcast_in_dim3A_65, %dot_general3A_69 {dimension_numbers = #tpu.dot_dimension_numbers<[0], [0], [1], [1], [0, 1, 1, 1], [], []>, transpose_lhs_hint = false} : vector<585x128xf32>, vector<585x1xf32>, vector<128x1xf32> -> vector<128x1xf32>
    %dot_general3A_71 = arith.constant dense<0.000000e+00> : vector<128x1xf32>
    %dot_general3A_72 = tpu.matmul %mul3A_33, %broadcast_in_dim3A_65, %dot_general3A_71 {dimension_numbers = #tpu.dot_dimension_numbers<[0], [0], [1], [1], [0, 1, 1, 1], [], []>, transpose_lhs_hint = false} : vector<585x128xf32>, vector<585x1xf32>, vector<128x1xf32> -> vector<128x1xf32>
    %dot_general3A_73 = arith.constant dense<0.000000e+00> : vector<73x1xf32>
    %dot_general3A_74 = tpu.matmul %mul3A_42, %broadcast_in_dim3A_65, %dot_general3A_73 {dimension_numbers = #tpu.dot_dimension_numbers<[0], [0], [1], [1], [0, 1, 1, 1], [], []>, transpose_lhs_hint = false} : vector<585x73xf32>, vector<585x1xf32>, vector<73x1xf32> -> vector<73x1xf32>
    %concatenate3A = tpu.concatenate %dot_general3A_66, %dot_general3A_68, %dot_general3A_70, %dot_general3A_72, %dot_general3A_74 in 0 : vector<128x1xf32>, vector<128x1xf32>, vector<128x1xf32>, vector<128x1xf32>, vector<73x1xf32> -> vector<585x1xf32>
    %add3A = arith.constant 1.000000e+00 : f32
    %add3A_75 = vector.broadcast %add3A : f32 to vector<585x1xf32>
    %add3A_76 = arith.addf %concatenate3A, %add3A_75 : vector<585x1xf32>
    %rsqrt3A = math.rsqrt %add3A_76 : vector<585x1xf32>
    %dot_general3A_77 = arith.constant dense<0.000000e+00> : vector<585x128xf32>
    %dot_general3A_78 = tpu.matmul %get3A_52, %get3A_55, %dot_general3A_77 {dimension_numbers = #tpu.dot_dimension_numbers<[1], [0], [0], [1], [0, 0, 1, 1], [], []>, transpose_lhs_hint = false} : vector<585x128xf32>, vector<128x128xf32>, vector<585x128xf32> -> vector<585x128xf32>
    %mul3A_79 = vector.broadcast %rsqrt3A : vector<585x1xf32> to vector<585x128xf32>
    %mul3A_80 = arith.mulf %mul3A_79, %dot_general3A_78 : vector<585x128xf32>
    %dot_general3A_81 = arith.constant dense<0.000000e+00> : vector<128x128xf32>
    %dot_general3A_82 = tpu.matmul %mul3A, %mul3A_80, %dot_general3A_81 {dimension_numbers = #tpu.dot_dimension_numbers<[0], [0], [1], [1], [0, 1, 1, 1], [], []>, transpose_lhs_hint = false} : vector<585x128xf32>, vector<585x128xf32>, vector<128x128xf32> -> vector<128x128xf32>
    %dot_general3A_83 = arith.constant dense<0.000000e+00> : vector<128x128xf32>
    %dot_general3A_84 = tpu.matmul %mul3A_15, %mul3A_80, %dot_general3A_83 {dimension_numbers = #tpu.dot_dimension_numbers<[0], [0], [1], [1], [0, 1, 1, 1], [], []>, transpose_lhs_hint = false} : vector<585x128xf32>, vector<585x128xf32>, vector<128x128xf32> -> vector<128x128xf32>
    %dot_general3A_85 = arith.constant dense<0.000000e+00> : vector<128x128xf32>
    %dot_general3A_86 = tpu.matmul %mul3A_24, %mul3A_80, %dot_general3A_85 {dimension_numbers = #tpu.dot_dimension_numbers<[0], [0], [1], [1], [0, 1, 1, 1], [], []>, transpose_lhs_hint = false} : vector<585x128xf32>, vector<585x128xf32>, vector<128x128xf32> -> vector<128x128xf32>
    %dot_general3A_87 = arith.constant dense<0.000000e+00> : vector<128x128xf32>
    %dot_general3A_88 = tpu.matmul %mul3A_33, %mul3A_80, %dot_general3A_87 {dimension_numbers = #tpu.dot_dimension_numbers<[0], [0], [1], [1], [0, 1, 1, 1], [], []>, transpose_lhs_hint = false} : vector<585x128xf32>, vector<585x128xf32>, vector<128x128xf32> -> vector<128x128xf32>
    %dot_general3A_89 = arith.constant dense<0.000000e+00> : vector<73x128xf32>
    %dot_general3A_90 = tpu.matmul %mul3A_42, %mul3A_80, %dot_general3A_89 {dimension_numbers = #tpu.dot_dimension_numbers<[0], [0], [1], [1], [0, 1, 1, 1], [], []>, transpose_lhs_hint = false} : vector<585x73xf32>, vector<585x128xf32>, vector<73x128xf32> -> vector<73x128xf32>
    %concatenate3A_91 = tpu.concatenate %dot_general3A_82, %dot_general3A_84, %dot_general3A_86, %dot_general3A_88, %dot_general3A_90 in 0 : vector<128x128xf32>, vector<128x128xf32>, vector<128x128xf32>, vector<128x128xf32>, vector<73x128xf32> -> vector<585x128xf32>
    %add3A_92 = arith.addf %concatenate3A_91, %mul3A_80 : vector<585x128xf32>
    %mul3A_93 = vector.broadcast %rsqrt3A : vector<585x1xf32> to vector<585x128xf32>
    %mul3A_94 = arith.mulf %mul3A_93, %add3A_92 : vector<585x128xf32>
    %add3A_95 = vector.broadcast %get3A_58 : vector<1x128xf32> to vector<585x128xf32>
    %add3A_96 = arith.addf %mul3A_94, %add3A_95 : vector<585x128xf32>
    %max3A = arith.constant 0.000000e+00 : f32
    %max3A_97 = vector.broadcast %max3A : f32 to vector<585x128xf32>
    %max3A_98 = arith.maximumf %add3A_96, %max3A_97 : vector<585x128xf32>
    %dot_general3A_99 = arith.constant dense<0.000000e+00> : vector<585x128xf32>
    %dot_general3A_100 = tpu.matmul %max3A_98, %get3A_61, %dot_general3A_99 {dimension_numbers = #tpu.dot_dimension_numbers<[1], [0], [0], [1], [0, 0, 1, 1], [], []>, transpose_lhs_hint = false} : vector<585x128xf32>, vector<128x128xf32>, vector<585x128xf32> -> vector<585x128xf32>
    %mul3A_101 = vector.broadcast %rsqrt3A : vector<585x1xf32> to vector<585x128xf32>
    %mul3A_102 = arith.mulf %mul3A_101, %dot_general3A_100 : vector<585x128xf32>
    %dot_general3A_103 = arith.constant dense<0.000000e+00> : vector<128x128xf32>
    %dot_general3A_104 = tpu.matmul %mul3A, %mul3A_102, %dot_general3A_103 {dimension_numbers = #tpu.dot_dimension_numbers<[0], [0], [1], [1], [0, 1, 1, 1], [], []>, transpose_lhs_hint = false} : vector<585x128xf32>, vector<585x128xf32>, vector<128x128xf32> -> vector<128x128xf32>
    %dot_general3A_105 = arith.constant dense<0.000000e+00> : vector<128x128xf32>
    %dot_general3A_106 = tpu.matmul %mul3A_15, %mul3A_102, %dot_general3A_105 {dimension_numbers = #tpu.dot_dimension_numbers<[0], [0], [1], [1], [0, 1, 1, 1], [], []>, transpose_lhs_hint = false} : vector<585x128xf32>, vector<585x128xf32>, vector<128x128xf32> -> vector<128x128xf32>
    %dot_general3A_107 = arith.constant dense<0.000000e+00> : vector<128x128xf32>
    %dot_general3A_108 = tpu.matmul %mul3A_24, %mul3A_102, %dot_general3A_107 {dimension_numbers = #tpu.dot_dimension_numbers<[0], [0], [1], [1], [0, 1, 1, 1], [], []>, transpose_lhs_hint = false} : vector<585x128xf32>, vector<585x128xf32>, vector<128x128xf32> -> vector<128x128xf32>
    %dot_general3A_109 = arith.constant dense<0.000000e+00> : vector<128x128xf32>
    %dot_general3A_110 = tpu.matmul %mul3A_33, %mul3A_102, %dot_general3A_109 {dimension_numbers = #tpu.dot_dimension_numbers<[0], [0], [1], [1], [0, 1, 1, 1], [], []>, transpose_lhs_hint = false} : vector<585x128xf32>, vector<585x128xf32>, vector<128x128xf32> -> vector<128x128xf32>
    %dot_general3A_111 = arith.constant dense<0.000000e+00> : vector<73x128xf32>
    %dot_general3A_112 = tpu.matmul %mul3A_42, %mul3A_102, %dot_general3A_111 {dimension_numbers = #tpu.dot_dimension_numbers<[0], [0], [1], [1], [0, 1, 1, 1], [], []>, transpose_lhs_hint = false} : vector<585x73xf32>, vector<585x128xf32>, vector<73x128xf32> -> vector<73x128xf32>
    %concatenate3A_113 = tpu.concatenate %dot_general3A_104, %dot_general3A_106, %dot_general3A_108, %dot_general3A_110, %dot_general3A_112 in 0 : vector<128x128xf32>, vector<128x128xf32>, vector<128x128xf32>, vector<128x128xf32>, vector<73x128xf32> -> vector<585x128xf32>
    %add3A_114 = arith.addf %concatenate3A_113, %mul3A_102 : vector<585x128xf32>
    %mul3A_115 = vector.broadcast %rsqrt3A : vector<585x1xf32> to vector<585x128xf32>
    %mul3A_116 = arith.mulf %mul3A_115, %add3A_114 : vector<585x128xf32>
    %add3A_117 = vector.broadcast %get3A_64 : vector<1x128xf32> to vector<585x128xf32>
    %add3A_118 = arith.addf %mul3A_116, %add3A_117 : vector<585x128xf32>
    %max3A_119 = arith.constant 0.000000e+00 : f32
    %max3A_120 = vector.broadcast %max3A_119 : f32 to vector<585x128xf32>
    %max3A_121 = arith.maximumf %add3A_118, %max3A_120 : vector<585x128xf32>
    %concatenate3A_122 = tpu.concatenate %max3A_98, %max3A_121 in 1 : vector<585x128xf32>, vector<585x128xf32> -> vector<585x256xf32>
    %get3A_123 = arith.constant 0 : index
    %get3A_124 = arith.constant 0 : index
    %get3A_125 = vector.load %arg5[%get3A_123, %get3A_124] : memref<88x128xf32, #tpu.memory_space<vmem>>, vector<88x128xf32>
    %get3A_126 = arith.constant 0 : index
    %get3A_127 = arith.constant 0 : index
    %get3A_128 = vector.load %arg10[%get3A_126, %get3A_127] : memref<128x128xf32, #tpu.memory_space<vmem>>, vector<128x128xf32>
    %get3A_129 = arith.constant 0 : index
    %get3A_130 = arith.constant 0 : index
    %get3A_131 = vector.load %arg11[%get3A_129, %get3A_130] : memref<1x128xf32, #tpu.memory_space<vmem>>, vector<1x128xf32>
    %get3A_132 = arith.constant 0 : index
    %get3A_133 = arith.constant 0 : index
    %get3A_134 = vector.load %arg12[%get3A_132, %get3A_133] : memref<128x128xf32, #tpu.memory_space<vmem>>, vector<128x128xf32>
    %get3A_135 = arith.constant 0 : index
    %get3A_136 = arith.constant 0 : index
    %get3A_137 = vector.load %arg13[%get3A_135, %get3A_136] : memref<1x128xf32, #tpu.memory_space<vmem>>, vector<1x128xf32>
    %broadcast_in_dim3A_138 = arith.constant 1.000000e+00 : f32
    %broadcast_in_dim3A_139 = vector.broadcast %broadcast_in_dim3A_138 : f32 to vector<88x1xf32>
    %dot_general3A_140 = arith.constant dense<0.000000e+00> : vector<88x1xf32>
    %dot_general3A_141 = tpu.matmul %mul3A_49, %broadcast_in_dim3A_139, %dot_general3A_140 {dimension_numbers = #tpu.dot_dimension_numbers<[0], [0], [1], [1], [0, 1, 1, 1], [], []>, transpose_lhs_hint = false} : vector<88x88xf32>, vector<88x1xf32>, vector<88x1xf32> -> vector<88x1xf32>
    %add3A_142 = arith.constant 1.000000e+00 : f32
    %add3A_143 = vector.broadcast %add3A_142 : f32 to vector<88x1xf32>
    %add3A_144 = arith.addf %dot_general3A_141, %add3A_143 : vector<88x1xf32>
    %rsqrt3A_145 = math.rsqrt %add3A_144 : vector<88x1xf32>
    %dot_general3A_146 = arith.constant dense<0.000000e+00> : vector<88x128xf32>
    %dot_general3A_147 = tpu.matmul %get3A_125, %get3A_128, %dot_general3A_146 {dimension_numbers = #tpu.dot_dimension_numbers<[1], [0], [0], [1], [0, 0, 1, 1], [], []>, transpose_lhs_hint = false} : vector<88x128xf32>, vector<128x128xf32>, vector<88x128xf32> -> vector<88x128xf32>
    %mul3A_148 = vector.broadcast %rsqrt3A_145 : vector<88x1xf32> to vector<88x128xf32>
    %mul3A_149 = arith.mulf %mul3A_148, %dot_general3A_147 : vector<88x128xf32>
    %dot_general3A_150 = arith.constant dense<0.000000e+00> : vector<88x128xf32>
    %dot_general3A_151 = tpu.matmul %mul3A_49, %mul3A_149, %dot_general3A_150 {dimension_numbers = #tpu.dot_dimension_numbers<[0], [0], [1], [1], [0, 1, 1, 1], [], []>, transpose_lhs_hint = false} : vector<88x88xf32>, vector<88x128xf32>, vector<88x128xf32> -> vector<88x128xf32>
    %add3A_152 = arith.addf %dot_general3A_151, %mul3A_149 : vector<88x128xf32>
    %mul3A_153 = vector.broadcast %rsqrt3A_145 : vector<88x1xf32> to vector<88x128xf32>
    %mul3A_154 = arith.mulf %mul3A_153, %add3A_152 : vector<88x128xf32>
    %add3A_155 = vector.broadcast %get3A_131 : vector<1x128xf32> to vector<88x128xf32>
    %add3A_156 = arith.addf %mul3A_154, %add3A_155 : vector<88x128xf32>
    %max3A_157 = arith.constant 0.000000e+00 : f32
    %max3A_158 = vector.broadcast %max3A_157 : f32 to vector<88x128xf32>
    %max3A_159 = arith.maximumf %add3A_156, %max3A_158 : vector<88x128xf32>
    %dot_general3A_160 = arith.constant dense<0.000000e+00> : vector<88x128xf32>
    %dot_general3A_161 = tpu.matmul %max3A_159, %get3A_134, %dot_general3A_160 {dimension_numbers = #tpu.dot_dimension_numbers<[1], [0], [0], [1], [0, 0, 1, 1], [], []>, transpose_lhs_hint = false} : vector<88x128xf32>, vector<128x128xf32>, vector<88x128xf32> -> vector<88x128xf32>
    %mul3A_162 = vector.broadcast %rsqrt3A_145 : vector<88x1xf32> to vector<88x128xf32>
    %mul3A_163 = arith.mulf %mul3A_162, %dot_general3A_161 : vector<88x128xf32>
    %dot_general3A_164 = arith.constant dense<0.000000e+00> : vector<88x128xf32>
    %dot_general3A_165 = tpu.matmul %mul3A_49, %mul3A_163, %dot_general3A_164 {dimension_numbers = #tpu.dot_dimension_numbers<[0], [0], [1], [1], [0, 1, 1, 1], [], []>, transpose_lhs_hint = false} : vector<88x88xf32>, vector<88x128xf32>, vector<88x128xf32> -> vector<88x128xf32>
    %add3A_166 = arith.addf %dot_general3A_165, %mul3A_163 : vector<88x128xf32>
    %mul3A_167 = vector.broadcast %rsqrt3A_145 : vector<88x1xf32> to vector<88x128xf32>
    %mul3A_168 = arith.mulf %mul3A_167, %add3A_166 : vector<88x128xf32>
    %add3A_169 = vector.broadcast %get3A_137 : vector<1x128xf32> to vector<88x128xf32>
    %add3A_170 = arith.addf %mul3A_168, %add3A_169 : vector<88x128xf32>
    %max3A_171 = arith.constant 0.000000e+00 : f32
    %max3A_172 = vector.broadcast %max3A_171 : f32 to vector<88x128xf32>
    %max3A_173 = arith.maximumf %add3A_170, %max3A_172 : vector<88x128xf32>
    %concatenate3A_174 = tpu.concatenate %max3A_159, %max3A_173 in 1 : vector<88x128xf32>, vector<88x128xf32> -> vector<88x256xf32>
    %broadcast_in_dim3A_175 = arith.constant 0.000000e+00 : f32
    %broadcast_in_dim3A_176 = vector.broadcast %broadcast_in_dim3A_175 : f32 to vector<40x256xf32>
    %concatenate3A_177 = tpu.concatenate %concatenate3A_174, %broadcast_in_dim3A_176 in 0 : vector<88x256xf32>, vector<40x256xf32> -> vector<128x256xf32>
    %dot_general3A_178 = arith.constant dense<0.000000e+00> : vector<585x128xf32>
    %dot_general3A_179 = tpu.matmul %concatenate3A_122, %concatenate3A_177, %dot_general3A_178 {dimension_numbers = #tpu.dot_dimension_numbers<[1], [1], [0], [0], [0, 0, 1, 0], [], []>, transpose_lhs_hint = false} : vector<585x256xf32>, vector<128x256xf32>, vector<585x128xf32> -> vector<585x128xf32>
    %swap3A = arith.constant 0 : index
    %swap3A_180 = arith.constant 0 : index
    %swap3A_181 = vector.load %arg14[%swap3A, %swap3A_180] : memref<585x128xf32, #tpu.memory_space<vmem>>, vector<585x128xf32>
    tpu.vector_store %arg14[%swap3A, %swap3A_180], %dot_general3A_179 {strides = array<i32>} : memref<585x128xf32, #tpu.memory_space<vmem>>, vector<585x128xf32>,
    %swap3A_182 = arith.constant 0 : index
    %swap3A_183 = arith.constant 0 : index
    %swap3A_184 = vector.load %arg15[%swap3A_182, %swap3A_183] : memref<585x256xf32, #tpu.memory_space<vmem>>, vector<585x256xf32>
    tpu.vector_store %arg15[%swap3A_182, %swap3A_183], %concatenate3A_122 {strides = array<i32>} : memref<585x256xf32, #tpu.memory_space<vmem>>, vector<585x256xf32>,
    %swap3A_185 = arith.constant 0 : index
    %swap3A_186 = arith.constant 0 : index
    %swap3A_187 = vector.load %arg16[%swap3A_185, %swap3A_186] : memref<88x256xf32, #tpu.memory_space<vmem>>, vector<88x256xf32>
    tpu.vector_store %arg16[%swap3A_185, %swap3A_186], %concatenate3A_174 {strides = array<i32>} : memref<88x256xf32, #tpu.memory_space<vmem>>, vector<88x256xf32>,
    return
  }
}

</mosaic_0001>

<sc_bundles>
// kernel: kernel.4.cloned.1.call-start
scs
__scs_entry_jumppad:
0x0: {  	(pc) =	sbr.rel $0x88, $3  }
0x1: {  	(tag) =	ssettag $0x0;
	lr =	simm.s32 $0x1  }
0x2: {  	[smem:$0x3F93] =	sst lr;
	_ =	strace $0xD0000000  }
0x3: {  	_ = 	snop  }
0x4: {  	_ = 	snop  }
0x5: {  	_ = 	snop  }
0x6: {  	_ = 	snop  }
0x7: {  	_ = 	snop  }
__scs_overlays_trampoline_lowered:
0x8: {  	[smem:$0x3FA2] =	sst s0  }
0x9: {  	[smem:$0x3FA3] =	sst s1  }
0xa: {  	[smem:$0x3FA4] =	sst s2  }
0xb: {  	[smem:$0x3FA5] =	sst s3  }
0xc: {  	[smem:$0x3FA6] =	sst s4  }
0xd: {  	[smem:$0x3FA7] =	sst s5  }
0xe: {  	[smem:$0x3FA8] =	sst s6  }
0xf: {  	[smem:$0x3FA9] =	sst s7  }
0x10: {  	[smem:$0x3FAA] =	sst s8  }
0x11: {  	[smem:$0x3FAB] =	sst s9;
	s0 =	simm.s32 @!p0 $0x0  }
0x12: {  	s1 =	sld [smem:$0x3F91];
	s0 =	simm.s32 @p0 $0x1  }
0x13: {  	[smem:$0x3FAC] =	sst s0;
	s0 =	simm.s32 @!p1 $0x0  }
0x14: {  	s2 =	sld [smem:$0x3F90];
	s0 =	simm.s32 @p1 $0x1  }
0x15: {  	[smem:$0x3FAD] =	sst s0;
	s0 =	simm.s32 @!p2 $0x0  }
0x16: {  	s3 =	sld [smem:$0x3FDB];
	s0 =	simm.s32 @p2 $0x1  }
0x17: {  	s4 =	simm.s32 $0x1BF5;
	[smem:$0x3FAF] =	sst s0  }
0x18: {  	s0 =	sld [smem:$0x3F92];
	_ =	swait.ge [sflag:s4], $0x0  }
0x19: {  	s7 =	sld [smem:$0x3F93]  }
0x1a: {  	s8 =	sadd.s32 $0xFFFFE003, lr  }
0x1b: {  	s9 =	sadd.s32 $0xFFFFFEF7, lr;
	s5 =	simm.s32 $0xFFFFFFFF;
	p2 =	slt.u32 s8, $0xFFFFF086  }
0x1c: {  	p1 =	slt.u32 s9, $0xF7A;
	s5 =	simm.s32 @!p2 $0x0  }
0x1d: {  	s5 =	simm.s32 @p1 $0x1;
	p0 =	seq.s32 s7, s2  }
0x1e: {  	s7 =	smul.u32 @!p0 $0xF7A, s2;
	p2 =	seq.s32 @!p0 s5, $0x0  }
0x1f: {  	s9 =	smul.u32 $0xF7A, s1;
	s8 =	simm.s32 @!p0 $0x1BF5;
	p2 =	por !p2, p0  }
0x20: {  	[sflag:s8] =	ssyncset.s32 @!p0 $0xFFFFF086;
	s6 =	sadd.s32 @!p0 s3, s7;
	s7 =	simm.s32 @!p0 $0x108  }
0x21: {  	s3 =	sadd.s32 s3, s9;
	s6 =	sadd.s32 @!p0 $0x88, s6;
	s7 =	simm.s32 @p2 $0x1082  }
0x22: {  	[simem:s7], [sflag:s8] =	dma.local @!p0 [hbm:s6], $0xF7A  }
0x23: {  	s9 =	sor.u32 $0xD0000000, s2;
	s6 =	simm.s32 $0x108;
	_ =	swait.ge @!p0 [sflag:s8], $0x0  }
0x24: {  	s3 =	sadd.s32 $0x88, s3;
	s6 =	simm.s32 @!p1 $0x1082;
	[sflag:s4] =	ssyncset.s32 $0xFFFFF086  }
0x25: {  	[simem:s6], [sflag:s4] =	dma.local [hbm:s3], $0xF7A  }
0x26: {  	[smem:$0x3F93] =	sst s1;
	(tag) =	ssettag s2;
	_ =	strace s9  }
0x27: {  	s1 =	sld [smem:$0x3FA3]  }
0x28: {  	s2 =	sld [smem:$0x3FA4]  }
0x29: {  	s4 =	sld [smem:$0x3FA6]  }
0x2a: {  	p0 =	seq.s32 s5, $0x0;
	s5 =	sld [smem:$0x3FA7]  }
0x2b: {  	s6 =	sld [smem:$0x3FA8]  }
0x2c: {  	s7 =	sld [smem:$0x3FA9]  }
0x2d: {  	s3 =	simm.s32 $0x108;
	s8 =	sld [smem:$0x3FAA]  }
0x2e: {  	s3 =	simm.s32 @!p0 $0x1082;
	s9 =	sld [smem:$0x3FAB]  }
0x2f: {  	lr =	sadd.s32 s0, s3;
	s0 =	sld [smem:$0x3FA2]  }
0x30: {  	s3 =	sld [smem:$0x3FA5]  }
0x31: {  	[smem:$0x3FAE] =	sst s10  }
0x32: {  	s10 =	sld [smem:$0x3FAC];
	_ =	sdelay $0x3  }
0x33: {  	p0 =	seq.s32 s10, $0x1;
	s10 =	sld [smem:$0x3FAE];
	_ =	sdelay $0x3  }
0x34: {  	[smem:$0x3FAE] =	sst s10  }
0x35: {  	s10 =	sld [smem:$0x3FAD];
	_ =	sdelay $0x3  }
0x36: {  	p1 =	seq.s32 s10, $0x1;
	s10 =	sld [smem:$0x3FAE];
	_ =	sdelay $0x3  }
0x37: {  	[smem:$0x3FAE] =	sst s10  }
0x38: {  	s10 =	sld [smem:$0x3FAF]  }
0x39: {  	_ = 	snop;
	(pc) =	sbr.ind lr, $3  }
0x3a: {  	_ = 	snop  }
0x3b: {  	_ = 	snop  }
0x3c: {  	p2 =	seq.s32 s10, $0x1;
	s10 =	sld [smem:$0x3FAE]  }
0x3d: {  	_ =	shalt  }
0x3e: {  	_ =	shalt  }
0x3f: {  	_ =	shalt  }
0x40: {  	_ =	shalt  }
0x41: {  	_ =	shalt  }
0x42: {  	_ =	shalt  }
0x43: {  	_ =	shalt  }
0x44: {  	_ =	shalt  }
0x45: {  	_ =	shalt  }
0x46: {  	_ =	shalt  }
0x47: {  	_ =	shalt  }
0x48: {  	_ =	shalt  }
0x49: {  	_ =	shalt  }
0x4a: {  	_ =	shalt  }
0x4b: {  	_ =	shalt  }
0x4c: {  	_ =	shalt  }
0x4d: {  	_ =	shalt  }
0x4e: {  	_ =	shalt  }
0x4f: {  	_ =	shalt  }
0x50: {  	_ =	shalt  }
0x51: {  	_ =	shalt  }
0x52: {  	_ =	shalt  }
0x53: {  	_ =	shalt  }
0x54: {  	_ =	shalt  }
0x55: {  	_ =	shalt  }
0x56: {  	_ =	shalt  }
0x57: {  	_ =	shalt  }
0x58: {  	_ =	shalt  }
0x59: {  	_ =	shalt  }
0x5a: {  	_ =	shalt  }
0x5b: {  	_ =	shalt  }
0x5c: {  	_ =	shalt  }
0x5d: {  	_ =	shalt  }
0x5e: {  	_ =	shalt  }
0x5f: {  	_ =	shalt  }
0x60: {  	_ =	shalt  }
0x61: {  	_ =	shalt  }
0x62: {  	_ =	shalt  }
0x63: {  	_ =	shalt  }
0x64: {  	_ =	shalt  }
0x65: {  	_ =	shalt  }
0x66: {  	_ =	shalt  }
0x67: {  	_ =	shalt  }
0x68: {  	_ =	shalt  }
0x69: {  	_ =	shalt  }
0x6a: {  	_ =	shalt  }
0x6b: {  	_ =	shalt  }
0x6c: {  	_ =	shalt  }
0x6d: {  	_ =	shalt  }
0x6e: {  	_ =	shalt  }
0x6f: {  	_ =	shalt  }
0x70: {  	_ =	shalt  }
0x71: {  	_ =	shalt  }
0x72: {  	_ =	shalt  }
0x73: {  	_ =	shalt  }
0x74: {  	_ =	shalt  }
0x75: {  	_ =	shalt  }
0x76: {  	_ =	shalt  }
0x77: {  	_ =	shalt  }
0x78: {  	_ =	shalt  }
0x79: {  	_ =	shalt  }
0x7a: {  	_ =	shalt  }
0x7b: {  	_ =	shalt  }
0x7c: {  	_ =	shalt  }
0x7d: {  	_ =	shalt  }
0x7e: {  	_ =	shalt  }
0x7f: {  	_ =	shalt  }
0x80: {  	_ =	shalt  }
0x81: {  	_ =	shalt  }
0x82: {  	_ =	shalt  }
0x83: {  	_ =	shalt  }
0x84: {  	_ =	shalt  }
0x85: {  	_ =	shalt  }
0x86: {  	_ =	shalt  }
0x87: {  	_ =	shalt  }
.Lfunc_end0:
.L_simem_size_0:
called_computation_lowered:
.L_overlay_start_0:
0x88: {  	s2 =	sld [smem:$0x3FD9]  }
0x89: {  	s3 =	sld [smem:$0x3FFE];
	_ =	sdelay $0x1  }
0x8a: {  	s1 =	srdreg.scid  }
0x8b: {  	s0 =	sand.u32 $0x1, s1  }
0x8c: {  	s14 =	sshll.u32 s0, $0xA;
	s2 =	sadd.s32 s3, s2  }
0x8d: {  	s2 =	sadd.s32 s2, s14  }
0x8e: {  	[smem:$0x3FBA] =	sst s2  }
0x8f: {  	_ = 	snop  }
0x90: {  	s2 =	sld [smem:$0x3FD0];
	_ =	sdelay $0x1  }
0x91: {  	s15 =	sld [smem:$0x3FC8]  }
0x92: {  	s5 =	simm.s32 $0xA;
	s6 =	simm.s32 $0x10;
	s4 =	sld [smem:$0x3FC6]  }
0x93: {  	[smem:s6], [sflag:s5] =	dma.local [hbm:s2], $0x1  }
0x94: {  	_ =	swait.eq [sflag:s5], $0x1  }
0x95: {  	[sflag:s5] =	ssyncset.done $0x0  }
0x96: {  	s16 =	sld [smem:$0x10];
	[sflag:s5] =	ssyncadd.s32 $0xFFFFFFFF  }
0x97: {  	s17 =	sld [smem:$0x12];
	(tm) =	ssettm $0x1  }
0x98: {  	s18 =	sld [smem:$0x3FFB];
	_ =	sdelay $0x3  }
0x99: {  	_ =	strace s18  }
0x9a: {  	s6 =	sld [smem:$0x3FFC];
	_ =	sdelay $0x3  }
0x9b: {  	_ =	strace s6  }
0x9c: {  	s6 =	sld [smem:$0x3FFD];
	_ =	sdelay $0x3  }
0x9d: {  	_ =	strace s6  }
0x9e: {  	_ =	strace $0x8FFFFFFF  }
0x9f: {  	s19 =	sld [smem:$0x3FDB];
	_ =	sdelay $0x1  }
0xa0: {  	s7 =	simm.s32 $_scs_section_size  }
0xa1: {  	s8 =	simm.s32 $_size__tile_overlayer_lowered;
	s9 =	simm.s32 $_tile_overlayer_lowered  }
0xa2: {  	s22 =	simm.s32 $0x1BFF;
	s21 =	sshll.u32 s9, $0x1;
	s6 =	sadd.s32 s7, s19  }
0xa3: {  	s10 =	simm.s32 $0x0;
	s20 =	sshll.u32 s8, $0x1;
	s8 =	sadd.s32 s21, s6  }
0xa4: {  	[timem:s10], [sflag:s22] =	dma.local [hbm:s8], s20  }
0xa5: {  	_ =	swait.ge [sflag:s22], s20  }
0xa6: {  	s7 =	ssub.s32 $0x0, s20;
	[sflag:s22] =	ssyncset.done $0x0  }
0xa7: {  	[sflag:s22] =	ssyncadd.s32 s7;
	_ =	sdelay $0x1  }
0xa8: {  	s23 =	simm.s32 $0x1B8B  }
0xa9: {  	_ =	swait.ge [sflag:s23], $0x1  }
0xaa: {  	[sflag:s23] =	ssyncset.done $0x0  }
0xab: {  	s25 =	simm.s32 $0x1B8E;
	s24 =	sld [smem:$0x3FFE];
	[sflag:s23] =	ssyncadd.s32 $0xFFFFFFFF  }
0xac: {  	s26 =	simm.s32 $execute0_lowered;
	[smem:$0x3FD2] =	sst s25  }
0xad: {  	s8 =	sshll.u32 s26, $0x1;
	_ =	strace $0x80000046;
	[dreg:$0x1] =	wrdreg $0xFFFFFFFF  }
0xae: {  	s28 =	simm.s32 $_size_execute0_lowered;
	s6 =	sadd.s32 s6, s8;
	[dreg:$0x0] =	wrdreg $0x0  }
0xaf: {  	s8 =	sshll.u32 s28, $0x1;
	[dreg:$0x2] =	wrdreg s6  }
0xb0: {  	[dreg:$0x3] =	wrdreg s8  }
0xb1: {  	[dreg:$0x4] =	wrdreg $0xC0  }
0xb2: {  	_ =	task [dreg:s10], $0x5FFFF  }
0xb3: {  	[dreg:$0x1] =	wrdreg $0xFFFFFFFF  }
0xb4: {  	[dreg:$0x0] =	wrdreg $0x60  }
0xb5: {  	[dreg:$0x2] =	wrdreg s15  }
0xb6: {  	[dreg:$0x3] =	wrdreg s16  }
0xb7: {  	[dreg:$0x4] =	wrdreg s4  }
0xb8: {  	[dreg:$0x5] =	wrdreg s24  }
0xb9: {  	[dreg:$0x6] =	wrdreg s17  }
0xba: {  	[dreg:$0x7] =	wrdreg $0x0  }
0xbb: {  	[dreg:$0x8] =	wrdreg $0x32000  }
0xbc: {  	[dreg:$0x9] =	wrdreg $0x9  }
0xbd: {  	_ =	task.clear_ibuf [dreg:s10], $0xAFFFF;
	_ =	strace $0x90000046  }
0xbe: {  	s29 =	simm.s32 $0x9;
	_ =	strace $0x80000048  }
0xbf: {  	_ =	swait.ge [sflag:s29], $0x1  }
0xc0: {  	[sflag:s29] =	ssyncadd.s32 $0xFFFFFFFF  }
0xc1: {  	_ =	strace $0x90000048  }
0xc2: {  	_ =	sfence  }
0xc3: {  	s30 =	sld [smem:$0x0];
	_ =	sdelay $0x2  }
0xc4: {  	s31 =	sshll.u32 s1, $0xD;
	s1 =	sshrl.u32 s1, $0x2  }
0xc5: {  	s3 =	sand.u32 $0x4000, s31;
	s1 =	sadd.s32 s1, s30  }
0xc6: {  	s0 =	sor.u32 s3, s0;
	s1 =	sshll.u32 s1, $0x11  }
0xc7: {  	s0 =	sor.u32 s1, s0  }
0xc8: {  	s0 =	sadd.s32 $0x8F2B, s0  }
0xc9: {  	[sflag:s0] =	ssyncadd.remote.s32 $0x1  }
0xca: {  	_ =	sfence.sel $0xFFFF  }
0xcb: {  	[dreg:$0x0] =	wrdreg $0xFFFFFFFF;
	(pc) =	sbr.abs _section_cstart, $3  }
0xcc: {  	[dreg:$0x1] =	wrdreg $0xFFFFFFFF  }
0xcd: {  	_ =	task.clear_ibuf [dreg:s10], $0x2FFFF;
	_ =	strace $0x9FFFFFFF  }
0xce: {  	(tm) =	ssettm $0x7FFFFFFF  }
0xcf: {  	_ =	shalt  }
tec
execute0_lowered:
.L_overlay_start_1:
0x0: {  	(tag) =	ssettag $0x1  }
0x1: {  	s0 =	rddreg [dreg:$0x0]  }
0x2: {  	s1 =	rddreg [dreg:$0x2]  }
0x3: {  	s2 =	rddreg [dreg:$0x3]  }
0x4: {  	s4 =	rddreg [dreg:$0x4]  }
0x5: {  	s3 =	rddreg [dreg:$0x5];
	s12 =	stileid.u32  }
0x6: {  	s5 =	srdreg.scid;
	s7 =	smul.u32 $0xA00, s12  }
0x7: {  	s13 =	rddreg [dreg:$0x6];
	s10 =	smul.u32 $0xC800, s12  }
0x8: {  	s6 =	sand.u32 $0x1, s5;
	s5 =	simm.s32 $0x0;
	s11 =	smul.u32 $0x140, s12  }
0x9: {  	s26 =	sadd.s32 $0x1180, s0;
	s14 =	sshll.u32 s12, $0x9;
	p0 =	slt.u32 s12, $0xE  }
0xa: {  	s29 =	sshll.u32 s12, $0x7;
	s8 =	smul.u32 $0xA000, s6;
	[smem:$0x7FF] =	sst s5  }
0xb: {  	s9 =	ssub.s32 $0x2, s6;
	s16 =	smul.u32 $0x140, s6;
	s15 =	sshll.u32 s6, $0x6  }
0xc: {  	s6 =	sshll.u32 s6, $0xD;
	p1 =	sgt.u32 @p0 s12, $0xA;
	p2 =	sne.s32 @!p0 s12, $0xE  }
0xd: {  	_ =	strace $0x80000047;
	s25 =	sshrl.u32 s9, $0x1;
	[dreg:$0x8] =	wrdreg s26  }
0xe: {  	s31 =	sshrl.u32 s10, $0x2;
	s0 =	sadd.s32 s0, s11;
	s10 =	sshll.u32 s12, $0x5  }
0xf: {  	s8 =	sadd.s32 s7, s8;
	[dreg:$0x9] =	wrdreg s0;
	s0 =	sadd.s32 s1, s10  }
0x10: {  	s9 =	ssub.s32 s9, s25;
	s8 =	sshrl.u32 s8, $0x3;
	[dreg:$0xa] =	wrdreg s0  }
0x11: {  	s25 =	smax.u32 s9, $0x1;
	s2 =	sadd.s32 s8, s2;
	s8 =	sadd.s32 s31, s3  }
0x12: {  	p3 =	por p1, !p0;
	[dreg:$0x12] =	wrdreg s25;
	s11 =	sadd.s32 $0xA00, s8  }
0x13: {  	p1 =	por !p1, !p0;
	s17 =	sadd.s32 $0x2600, s2;
	[dreg:$0xb] =	wrdreg s11  }
0x14: {  	s10 =	simm.s32 $0x4A80;
	s18 =	sadd.s32 $0x4E00, s2;
	[dreg:$0xc] =	wrdreg s17  }
0x15: {  	s0 =	sor.u32 s14, s6;
	s20 =	sadd.s32 $0x7600, s2;
	[dreg:$0xd] =	wrdreg s18  }
0x16: {  	s0 =	sshrl.u32 s0, $0x3;
	s22 =	sadd.s32 $0x9E00, s2;
	[dreg:$0xe] =	wrdreg s20  }
0x17: {  	s2 =	sadd.s32 $0xC600, s2;
	s0 =	sadd.s32 s4, s0;
	[dreg:$0xf] =	wrdreg s22  }
0x18: {  	s25 =	sadd.s32 $0x1E00, s8;
	s28 =	sadd.s32 $0x2800, s8;
	[dreg:$0x10] =	wrdreg s2  }
0x19: {  	s11 =	sadd.s32 s14, s13;
	s13 =	sadd.s32 s7, s3;
	[dreg:$0x11] =	wrdreg s0  }
0x1a: {  	s2 =	simm.s32 @!p3 $0x0;
	s17 =	sadd.s32 $0x140, s16;
	s14 =	simm.s32 $0x80  }
0x1b: {  	s19 =	sadd.s32 $0xA000, s13;
	s21 =	sadd.s32 $0x14000, s13;
	s2 =	simm.s32 @p3 $0x1  }
0x1c: {  	s23 =	sadd.s32 $0x1E000, s13;
	s24 =	sadd.s32 $0x28000, s13;
	[smem:$0x7F8] =	sst s2  }
0x1d: {  	s2 =	simm.s32 @!p1 $0x0;
	s1 =	sshrl.u32 s19, $0x3;
	s26 =	sshrl.u32 s21, $0x3  }
0x1e: {  	s31 =	sshrl.u32 s23, $0x3;
	s23 =	sshrl.u32 s24, $0x3;
	s24 =	sadd.s32 $0x1400, s8  }
0x1f: {  	s19 =	sadd.s32 $0x40, s15;
	s2 =	simm.s32 @p1 $0x1;
	[dreg:$0x13] =	wrdreg s1  }
0x20: {  	p1 =	por !p2, p0;
	[dreg:$0x14] =	wrdreg s26;
	s26 =	smul.u32 $0x500, s12  }
0x21: {  	v2 =	vmov s15;
	s15 =	simm.s32 $0x2;
	[smem:$0x7F9] =	sst s2;
	s2 =	simm.s32 @!p1 $0x0  }
0x22: {  	[dreg:$0x15] =	wrdreg s31;
	s2 =	simm.s32 @p1 $0x1;
	s30 =	sor.u32 $0x80, s26  }
0x23: {  	s18 =	sadd.s32 $0x100, s26;
	[smem:$0x7FA] =	sst s2;
	s2 =	simm.s32 @!p0 $0x0  }
0x24: {  	s0 =	sadd.s32 $0x200, s26;
	s2 =	simm.s32 @p0 $0x1;
	p0 =	por p2, p0  }
0x25: {  	s4 =	sadd.s32 $0x280, s26;
	[smem:$0x7FB] =	sst s2;
	s2 =	simm.s32 @!p0 $0x0  }
0x26: {  	s1 =	sadd.s32 $0x300, s26;
	s2 =	simm.s32 @p0 $0x1;
	p0 =	sgt.u32 s12, $0xD  }
0x27: {  	s6 =	sadd.s32 $0x380, s26;
	[smem:$0x7FC] =	sst s2;
	s2 =	simm.s32 @!p0 $0x0  }
0x28: {  	v4 =	vimm.f32 $0.0e+00;
	v5 =	vlaneseq.u32;
	s7 =	sadd.s32 $0x400, s26;
	s9 =	sadd.s32 $0x480, s26;
	s2 =	simm.s32 @p0 $0x1  }
0x29: {  	v0 =	vmov s16;
	v1 =	vmov s17;
	v3 =	vmov s19;
	s12 =	simm.s32 $0x1;
	[smem:$0x7FD] =	sst s2;
	s2 =	sadd.s32 $0x180, s26  }
.LBB2_1:
0x2a: {  	s16 =	sld [smem:$0x7FB];
	_ =	sdelay $0x2  }
0x2b: {  	p6 =	seq.s32 s16, $0x1  }
0x2c: {  	s19 =	rddreg [dreg:$0x9];
	s16 =	simm.s32 @p6 $0x0;
	s17 =	simm.s32 @p6 $0x3400  }
0x2d: {  	[tilespmem:s17], [sflag:$0x3] =	stream.linear.gather @p6 [hbm4b:s19+s16], $0xA00, $0x38;
	[tilespmem:$0x5480] =	vst v63  }
0x2e: {  	s19 =	sld [smem:$0x7F8]  }
0x2f: {  	s20 =	sld [smem:$0x7F9]  }
0x30: {  	s21 =	sld [smem:$0x7FA]  }
0x31: {  	s22 =	sld [smem:$0x7FC];
	p3 =	por @p6 $0x0, $0x0;
	p0 =	seq.s32 s19, $0x1  }
0x32: {  	s19 =	rddreg [dreg:$0xa];
	s16 =	simm.s32 @!p0 $0x0;
	s17 =	simm.s32 @!p0 $0x3E80  }
0x33: {  	[tilespmem:s17], [sflag:$0x3] =	stream.linear.gather @!p0 [hbm4b:s19+s16], $0x100, $0x38;
	[tilespmem:$0x5480] =	vst v63  }
0x34: {  	p1 =	por @!p0 $0x0, $0x0;
	p2 =	por @!p0 $0x1, $0x1;
	p0 =	seq.s32 s20, $0x1  }
0x35: {  	p2 =	por @!p0 p3, p3;
	p1 =	por @!p0 p3, p3;
	p3 =	seq.s32 s22, $0x1  }
0x36: {  	s19 =	rddreg [dreg:$0x1];
	s16 =	simm.s32 @!p2 $0x0;
	p5 =	por @!p3 $0x0, $0x0  }
0x37: {  	p0 =	por @!p3 $0x1, $0x1;
	s16 =	simm.s32 @p2 $0x1;
	p2 =	seq.s32 s21, $0x1  }
0x38: {  	[smem:$0x7F7] =	sst s16;
	s16 =	simm.s32 @!p2 $0x0;
	s17 =	simm.s32 @!p2 $0x3E00  }
0x39: {  	[tilespmem:s17], [sflag:$0x3] =	stream.linear.gather @!p2 [hbm4b:s19+s16], $0x80, $0x38;
	[tilespmem:$0x5480] =	vst v63  }
0x3a: {  	p4 =	por @!p2 $0x0, $0x0;
	s16 =	simm.s32 @!p3 $0x0;
	s19 =	rddreg [dreg:$0x8]  }
0x3b: {  	s17 =	simm.s32 @!p3 $0x3400;
	p5 =	por @!p2 p4, p4;
	s31 =	sld [smem:$0x7F7]  }
0x3c: {  	[tilespmem:s17], [sflag:$0x3] =	stream.linear.gather @!p3 [hbm4b:s19+s16], $0x600, $0x38;
	[tilespmem:$0x5480] =	vst v63  }
0x3d: {  	p0 =	por @!p2 p4, p4;
	p4 =	por @!p2 $0x1, $0x1;
	p3 =	por @!p3 $0x0, $0x0  }
0x3e: {  	s17 =	simm.s32 $0x100;
	s16 =	simm.s32 $0x0;
	p3 =	por @!p2 p4, p4  }
0x3f: {  	p4 =	seq.s32 s31, $0x1;
	p2 =	por p1, p1;
	p1 =	por @!p6 p3, p3  }
0x40: {  	p4 =	por @!p6 p5, p5;
	p2 =	por @!p6 p0, p0;
	p3 =	por p1, p1  }
.LBB2_2:
0x41: {  	p0 =	sne.s32 s17, $0x2700;
	[tilespmem:s16+$0x4AB0] =	vst v4;
	s19 =	smov.u32 s17;
	s17 =	sadd.s32 $0x100, s17  }
.Ltmp0:
0x42: {  	[tilespmem:s16+$0x4AA0] =	vst v4;
	(pc) =	sbr.rel @p0 .LBB2_2-.Ltmp0, $3  }
0x43: {  	[tilespmem:s16+$0x4A80] =	vst v4  }
0x44: {  	[tilespmem:s16+$0x4A90] =	vst v4;
	_ =	sdelay $0x1  }
0x45: {  	s16 =	sshra.s32 s19, $0x2  }
0x46: {  	[tilespmem:s16+$0x4AB0] =	vst v4  }
0x47: {  	[tilespmem:s16+$0x4AA0] =	vst v4  }
0x48: {  	[tilespmem:s16+$0x4A80] =	vst v4  }
0x49: {  	[tilespmem:s16+$0x4A90] =	vst v4  }
0x4a: {  	[spmem:s8] =	stream.linear.scatter [tilespmem:s10], [sflag:$0x1], $0xA00, $0x38;
	[tilespmem:$0x5480] =	vst v63  }
0x4b: {  	s21 =	rddreg [dreg:$0xb]  }
0x4c: {  	[spmem:s21] =	stream.linear.scatter [tilespmem:s10], [sflag:$0x1], $0xA00, $0x38;
	[tilespmem:$0x5480] =	vst v63  }
0x4d: {  	s22 =	sld [smem:$0x7FD]  }
0x4e: {  	[spmem:s24] =	stream.linear.scatter [tilespmem:s10], [sflag:$0x1], $0xA00, $0x38;
	[tilespmem:$0x5480] =	vst v63  }
0x4f: {  	_ = 	snop  }
0x50: {  	[spmem:s25] =	stream.linear.scatter [tilespmem:s10], [sflag:$0x1], $0xA00, $0x38;
	[tilespmem:$0x5480] =	vst v63  }
0x51: {  	p0 =	seq.s32 s22, $0x1  }
0x52: {  	[spmem:s28] =	stream.linear.scatter [tilespmem:s10], [sflag:$0x1], $0xA00, $0x38;
	[tilespmem:$0x5480] =	vst v63  }
0x53: {  	s16 =	simm.s32 @!p0 $0x3  }
0x54: {  	[spmem:s11] =	stream.linear.scatter [tilespmem:s10], [sflag:$0x1], $0x200, $0x38;
	[tilespmem:$0x5480] =	vst v63  }
0x55: {  	_ =	swait.ge @!p0 [sflag:s16], $0xA00  }
0x56: {  	[sflag:s16] =	ssyncset.done @!p0 $0x0  }
0x57: {  	[sflag:s16] =	ssyncadd.s32 @!p0 $0xFFFFF600;
	s16 =	simm.s32 @p2 $0x3  }
0x58: {  	_ =	swait.ge @p2 [sflag:s16], $0x600  }
0x59: {  	[sflag:s16] =	ssyncset.done @p2 $0x0  }
0x5a: {  	[sflag:s16] =	ssyncadd.s32 @p2 $0xFFFFFA00;
	s16 =	simm.s32 @p3 $0x3  }
0x5b: {  	_ =	swait.ge @p3 [sflag:s16], $0x80  }
0x5c: {  	[sflag:s16] =	ssyncset.done @p3 $0x0  }
0x5d: {  	[sflag:s16] =	ssyncadd.s32 @p3 $0xFFFFFF80;
	s16 =	simm.s32 @p4 $0x3  }
0x5e: {  	_ =	swait.ge @p4 [sflag:s16], $0x100  }
0x5f: {  	[sflag:s16] =	ssyncset.done @p4 $0x0  }
0x60: {  	[sflag:s16] =	ssyncadd.s32 @p4 $0xFFFFFF00;
	s16 =	simm.s32 $0x0  }
0x61: {  	v6 =	vld [tilespmem:s16+$0x3480]  }
0x62: {  	v7 =	vld [tilespmem:s16+$0x3400];
	_ =	sdelay $0x3  }
0x63: {  	v8 =	vmov s26;
	v9 =	vshrl.u32 v6, $0x7  }
0x64: {  	vm0 =	vlt.u32 v8, $0x4900;
	v8 =	vmul.u32 $0xA000, v9;
	v9 =	vsub.s32 v7, v0  }
0x65: {  	s17 =	simm.s32 $0x10;
	vm1 =	vge.s32 v7, v0;
	vm2 =	vlt.s32 v7, v1;
	v7 =	vshll.u32 v9, $0x7  }
0x66: {  	v7 =	vadd.s32 v7, v8;
	v8 =	vand.u32 $0x7F, v6;
	v6 =	vld [tilespmem:s17+$0x3480]  }
0x67: {  	v8 =	vor.u32 v8, v7;
	v7 =	vld [tilespmem:s17+$0x3400]  }
0x68: {  	vm0 =	vmand vm0, vm1  }
0x69: {  	s20 =	sadd.s32 $0x10, s26;
	v9 =	vor.u32 s26, v5;
	vm0 =	vmand vm2, vm0  }
0x6a: {  	s31 =	simm.s32 $0x0;
	s19 =	simm.s32 $0x10;
	s21 =	simm.s32 $0x80;
	v9 =	vsel vm0, v8, v9;
	v8 =	vsel vm0, $0x3F800000, v4  }
.LBB2_4:
0x6b: {  	s22 =	sshra.s32 s21, $0x2;
	p1 =	sne.s32 s21, $0x1C0;
	s21 =	sadd.s32 $0x40, s21;
	v10 =	vmov s20;
	v11 =	vshrl.u32 v6, $0x7;
	[tilespmem:s31+$0x3F80] =	vst v9;
	v9 =	vmov v6  }
.Ltmp1:
0x6c: {  	v6 =	vld [tilespmem:s22+$0x3480];
	vm0 =	vlt.u32 v10, $0x4900;
	v10 =	vmul.u32 $0xA000, v11;
	v11 =	vsub.s32 v7, v0;
	[tilespmem:s31+$0x4500] =	vst v8;
	s31 =	smov.u32 s19;
	s19 =	smov.u32 s22;
	(pc) =	sbr.rel @p1 .LBB2_4-.Ltmp1, $4  }
0x6d: {  	vm1 =	vge.s32 v7, v0;
	vm2 =	vlt.s32 v7, v1;
	v7 =	vld [tilespmem:s19+$0x3400];
	v8 =	vshll.u32 v11, $0x7  }
0x6e: {  	v9 =	vand.u32 $0x7F, v9;
	vm0 =	vmand vm0, vm1;
	v8 =	vadd.s32 v8, v10  }
0x6f: {  	v10 =	vor.u32 s20, v5;
	vm0 =	vmand vm2, vm0;
	v8 =	vor.u32 v9, v8  }
0x70: {  	s20 =	sadd.s32 $0x10, s20;
	v9 =	vsel vm0, v8, v10;
	v8 =	vsel vm0, $0x3F800000, v4  }
0x71: {  	v10 =	vmov s20  }
0x72: {  	v11 =	vshrl.u32 v6, $0x7;
	vm0 =	vlt.u32 v10, $0x4900  }
0x73: {  	v10 =	vmul.u32 $0xA000, v11;
	v11 =	vsub.s32 v7, v0;
	vm1 =	vge.s32 v7, v0  }
0x74: {  	vm2 =	vlt.s32 v7, v1;
	v7 =	vshll.u32 v11, $0x7;
	vm0 =	vmand vm0, vm1  }
0x75: {  	v6 =	vand.u32 $0x7F, v6;
	[tilespmem:s31+$0x3F80] =	vst v9;
	v7 =	vadd.s32 v7, v10;
	vm0 =	vmand vm2, vm0  }
0x76: {  	v9 =	vor.u32 s20, v5;
	[tilespmem:s31+$0x4500] =	vst v8;
	v6 =	vor.u32 v6, v7;
	v7 =	vsel vm0, $0x3F800000, v4  }
0x77: {  	v6 =	vsel vm0, v6, v9;
	[tilespmem:s19+$0x4500] =	vst v7  }
0x78: {  	[tilespmem:s19+$0x3F80] =	vst v6  }
0x79: {  	v6 =	vld [tilespmem:s16+$0x3580]  }
0x7a: {  	v7 =	vld [tilespmem:s16+$0x3500];
	_ =	sdelay $0x3  }
0x7b: {  	v8 =	vmov s30;
	v9 =	vshrl.u32 v6, $0x7  }
0x7c: {  	vm13 =	vlt.u32 v8, $0x4900;
	v8 =	vmul.u32 $0xA000, v9;
	v9 =	vsub.s32 v7, v0  }
0x7d: {  	vm14 =	vge.s32 v7, v0;
	vm15 =	vlt.s32 v7, v1;
	v7 =	vshll.u32 v9, $0x7  }
0x7e: {  	v7 =	vadd.s32 v7, v8;
	v8 =	vand.u32 $0x7F, v6;
	v6 =	vld [tilespmem:s17+$0x3580]  }
0x7f: {  	v8 =	vor.u32 v8, v7;
	v7 =	vld [tilespmem:s17+$0x3500]  }
0x80: {  	vm0 =	vmand vm13, vm14  }
0x81: {  	v9 =	vor.u32 s30, v5;
	vm0 =	vmand vm15, vm0  }
0x82: {  	s20 =	simm.s32 $0x80;
	s19 =	sadd.s32 $0x10, s30;
	v9 =	vsel vm0, v8, v9;
	v8 =	vsel vm0, $0x3F800000, v4  }
.LBB2_6:
0x83: {  	s21 =	sshra.s32 s20, $0x2;
	p1 =	sne.s32 s20, $0x1C0;
	s20 =	sadd.s32 $0x40, s20;
	v10 =	vmov s19;
	v11 =	vshrl.u32 v6, $0x7;
	[tilespmem:s16+$0x4000] =	vst v9;
	v9 =	vmov v6  }
.Ltmp2:
0x84: {  	v6 =	vld [tilespmem:s21+$0x3580];
	vm0 =	vlt.u32 v10, $0x4900;
	v10 =	vmul.u32 $0xA000, v11;
	v11 =	vsub.s32 v7, v0;
	[tilespmem:s16+$0x4580] =	vst v8;
	s16 =	smov.u32 s17;
	s17 =	smov.u32 s21;
	(pc) =	sbr.rel @p1 .LBB2_6-.Ltmp2, $4  }
0x85: {  	vm1 =	vge.s32 v7, v0;
	vm2 =	vlt.s32 v7, v1;
	v7 =	vld [tilespmem:s17+$0x3500];
	v8 =	vshll.u32 v11, $0x7  }
0x86: {  	v9 =	vand.u32 $0x7F, v9;
	vm0 =	vmand vm0, vm1;
	v8 =	vadd.s32 v8, v10  }
0x87: {  	v10 =	vor.u32 s19, v5;
	vm0 =	vmand vm2, vm0;
	v8 =	vor.u32 v9, v8  }
0x88: {  	s19 =	sadd.s32 $0x10, s19;
	v9 =	vsel vm0, v8, v10;
	v8 =	vsel vm0, $0x3F800000, v4  }
0x89: {  	v10 =	vmov s19;
	v11 =	vshrl.u32 v6, $0x7  }
0x8a: {  	vm0 =	vlt.u32 v10, $0x4900;
	v10 =	vmul.u32 $0xA000, v11;
	v11 =	vsub.s32 v7, v0  }
0x8b: {  	v6 =	vand.u32 $0x7F, v6;
	vm1 =	vge.s32 v7, v0;
	v11 =	vshll.u32 v11, $0x7  }
0x8c: {  	vm15 =	vlt.s32 v7, v1;
	vm0 =	vmand vm0, vm1;
	v10 =	vadd.s32 v11, v10  }
0x8d: {  	[tilespmem:s16+$0x4000] =	vst v9;
	p5 =	por $0x1, $0x1;
	v7 =	vor.u32 s19, v5;
	vm0 =	vmand vm15, vm0;
	v6 =	vor.u32 v6, v10  }
.Ltmp3:
0x8e: {  	[tilespmem:s16+$0x4580] =	vst v8;
	v6 =	vsel vm0, v6, v7;
	(pc) =	sbr.rel @!p5 .LBB2_8-.Ltmp3, $4  }
0x8f: {  	v7 =	vsel vm0, $0x3F800000, v4;
	[tilespmem:s17+$0x4000] =	vst v6  }
0x90: {  	s16 =	simm.s32 $0x0;
	[tilespmem:s17+$0x4580] =	vst v7  }
0x91: {  	v7 =	vld [tilespmem:s16+$0x3680]  }
0x92: {  	p2 =	por $0x0, $0x0;
	v8 =	vld [tilespmem:s16+$0x3600]  }
0x93: {  	_ =	sdelay $0x2  }
0x94: {  	v6 =	vmov s18;
	v9 =	vshrl.u32 v7, $0x7  }
0x95: {  	vm0 =	vlt.u32 v6, $0x4900;
	v6 =	vmul.u32 $0xA000, v9;
	v9 =	vsub.s32 v8, v0  }
0x96: {  	s17 =	simm.s32 $0x10;
	p0 =	por $0x1, $0x1;
	vm1 =	vge.s32 v8, v0;
	vm2 =	vlt.s32 v8, v1;
	v8 =	vshll.u32 v9, $0x7  }
.Ltmp4:
0x97: {  	v6 =	vadd.s32 v8, v6;
	v8 =	vand.u32 $0x7F, v7;
	v7 =	vld [tilespmem:s17+$0x3680];
	(pc) =	sbr.rel @!p0 .LBB2_10-.Ltmp4, $4  }
0x98: {  	v6 =	vor.u32 v8, v6;
	v8 =	vld [tilespmem:s17+$0x3600]  }
0x99: {  	vm0 =	vmand vm0, vm1  }
0x9a: {  	s20 =	simm.s32 $0x80;
	v9 =	vor.u32 s18, v5;
	vm0 =	vmand vm2, vm0  }
0x9b: {  	s31 =	sadd.s32 $0x10, s18;
	p1 =	por $0x1, $0x1;
	s19 =	simm.s32 $0x0;
	v9 =	vsel vm0, v6, v9;
	v6 =	vsel vm0, $0x3F800000, v4  }
.LBB2_11:
0x9c: {  	s21 =	sshra.s32 s20, $0x2;
	p4 =	sne.s32 s20, $0x1C0;
	s20 =	sadd.s32 $0x40, s20;
	v10 =	vmov s31;
	v11 =	vshrl.u32 v7, $0x7;
	[tilespmem:s19+$0x4080] =	vst v9;
	v9 =	vmov v7  }
.Ltmp5:
0x9d: {  	v7 =	vld [tilespmem:s21+$0x3680];
	vm0 =	vlt.u32 v10, $0x4900;
	v10 =	vmul.u32 $0xA000, v11;
	v11 =	vsub.s32 v8, v0;
	[tilespmem:s19+$0x4600] =	vst v6;
	s19 =	smov.u32 s17;
	s17 =	smov.u32 s21;
	(pc) =	sbr.rel @p4 .LBB2_11-.Ltmp5, $4  }
0x9e: {  	vm1 =	vge.s32 v8, v0;
	vm2 =	vlt.s32 v8, v1;
	v8 =	vld [tilespmem:s17+$0x3600];
	v6 =	vshll.u32 v11, $0x7  }
0x9f: {  	v9 =	vand.u32 $0x7F, v9;
	vm0 =	vmand vm0, vm1;
	v6 =	vadd.s32 v6, v10  }
0xa0: {  	v10 =	vor.u32 s31, v5;
	vm0 =	vmand vm2, vm0;
	v6 =	vor.u32 v9, v6  }
0xa1: {  	s31 =	sadd.s32 $0x10, s31;
	v9 =	vsel vm0, v6, v10;
	v6 =	vsel vm0, $0x3F800000, v4  }
.LBB2_12:
0xa2: {  	v10 =	vmov s31;
	v11 =	vshrl.u32 v7, $0x7  }
0xa3: {  	vm0 =	vlt.u32 v10, $0x4900;
	v10 =	vmul.u32 $0xA000, v11;
	v11 =	vsub.s32 v8, v0  }
0xa4: {  	v7 =	vand.u32 $0x7F, v7;
	vm1 =	vge.s32 v8, v0;
	v11 =	vshll.u32 v11, $0x7  }
0xa5: {  	vm15 =	vlt.s32 v8, v1;
	vm0 =	vmand vm0, vm1;
	v10 =	vadd.s32 v11, v10  }
0xa6: {  	[tilespmem:s19+$0x4080] =	vst @p1 v9;
	v8 =	vor.u32 s31, v5;
	vm0 =	vmand vm15, vm0;
	v7 =	vor.u32 v7, v10  }
.Ltmp6:
0xa7: {  	[tilespmem:s19+$0x4600] =	vst @p1 v6;
	v6 =	vsel vm0, v7, v8;
	(pc) =	sbr.rel @!p5 .LBB2_13-.Ltmp6, $4  }
0xa8: {  	v7 =	vsel vm0, $0x3F800000, v4;
	[tilespmem:s17+$0x4080] =	vst v6  }
0xa9: {  	[tilespmem:s17+$0x4600] =	vst v7  }
0xaa: {  	v7 =	vld [tilespmem:s16+$0x3780]  }
0xab: {  	v8 =	vld [tilespmem:s16+$0x3700]  }
0xac: {  	_ =	sdelay $0x2  }
0xad: {  	v6 =	vmov s2;
	v9 =	vshrl.u32 v7, $0x7  }
0xae: {  	vm0 =	vlt.u32 v6, $0x4900;
	v6 =	vmul.u32 $0xA000, v9;
	v9 =	vsub.s32 v8, v0  }
0xaf: {  	s19 =	simm.s32 $0x10;
	p0 =	por $0x1, $0x1;
	vm1 =	vge.s32 v8, v0;
	vm2 =	vlt.s32 v8, v1;
	v8 =	vshll.u32 v9, $0x7  }
.Ltmp7:
0xb0: {  	v6 =	vadd.s32 v8, v6;
	v8 =	vand.u32 $0x7F, v7;
	v7 =	vld [tilespmem:s19+$0x3780];
	(pc) =	sbr.rel @!p0 .LBB2_15-.Ltmp7, $4  }
0xb1: {  	v6 =	vor.u32 v8, v6;
	v8 =	vld [tilespmem:s19+$0x3700]  }
0xb2: {  	vm0 =	vmand vm0, vm1  }
0xb3: {  	v9 =	vor.u32 s2, v5;
	vm0 =	vmand vm2, vm0  }
0xb4: {  	s20 =	simm.s32 $0x80;
	s17 =	sadd.s32 $0x10, s2;
	p2 =	por $0x1, $0x1;
	v9 =	vsel vm0, v6, v9;
	v6 =	vsel vm0, $0x3F800000, v4  }
.LBB2_16:
0xb5: {  	s21 =	sshra.s32 s20, $0x2;
	p1 =	sne.s32 s20, $0x1C0;
	s20 =	sadd.s32 $0x40, s20;
	v10 =	vmov s17;
	v11 =	vshrl.u32 v7, $0x7;
	[tilespmem:s16+$0x4100] =	vst v9;
	v9 =	vmov v7  }
.Ltmp8:
0xb6: {  	v7 =	vld [tilespmem:s21+$0x3780];
	vm0 =	vlt.u32 v10, $0x4900;
	v10 =	vmul.u32 $0xA000, v11;
	v11 =	vsub.s32 v8, v0;
	[tilespmem:s16+$0x4680] =	vst v6;
	s16 =	smov.u32 s19;
	s19 =	smov.u32 s21;
	(pc) =	sbr.rel @p1 .LBB2_16-.Ltmp8, $4  }
0xb7: {  	vm1 =	vge.s32 v8, v0;
	vm2 =	vlt.s32 v8, v1;
	v8 =	vld [tilespmem:s19+$0x3700];
	v6 =	vshll.u32 v11, $0x7  }
0xb8: {  	v9 =	vand.u32 $0x7F, v9;
	vm0 =	vmand vm0, vm1;
	v6 =	vadd.s32 v6, v10  }
0xb9: {  	v10 =	vor.u32 s17, v5;
	vm0 =	vmand vm2, vm0;
	v6 =	vor.u32 v9, v6  }
0xba: {  	s17 =	sadd.s32 $0x10, s17;
	v9 =	vsel vm0, v6, v10;
	v6 =	vsel vm0, $0x3F800000, v4  }
0xbb: {  	s20 =	smov.u32 s16;
	s16 =	smov.u32 s19  }
.LBB2_18:
0xbc: {  	v10 =	vmov s17;
	v11 =	vshrl.u32 v7, $0x7  }
0xbd: {  	vm0 =	vlt.u32 v10, $0x4900;
	v10 =	vmul.u32 $0xA000, v11;
	v11 =	vsub.s32 v8, v0  }
0xbe: {  	vm1 =	vge.s32 v8, v0;
	vm15 =	vlt.s32 v8, v1;
	v11 =	vshll.u32 v11, $0x7  }
0xbf: {  	v7 =	vand.u32 $0x7F, v7;
	vm0 =	vmand vm0, vm1;
	v10 =	vadd.s32 v11, v10  }
0xc0: {  	[tilespmem:s20+$0x4100] =	vst @p2 v9;
	p5 =	por $0x1, $0x1;
	v8 =	vor.u32 s17, v5;
	vm0 =	vmand vm15, vm0;
	v7 =	vor.u32 v7, v10  }
.Ltmp9:
0xc1: {  	[tilespmem:s20+$0x4680] =	vst @p2 v6;
	v6 =	vsel vm0, v7, v8;
	(pc) =	sbr.rel @!p5 .LBB2_19-.Ltmp9, $4  }
0xc2: {  	v7 =	vsel vm0, $0x3F800000, v4;
	[tilespmem:s16+$0x4100] =	vst v6  }
0xc3: {  	[tilespmem:s16+$0x4680] =	vst v7;
	s16 =	simm.s32 $0x0  }
0xc4: {  	v7 =	vld [tilespmem:s16+$0x3880]  }
0xc5: {  	p2 =	por $0x0, $0x0;
	v8 =	vld [tilespmem:s16+$0x3800]  }
0xc6: {  	_ =	sdelay $0x2  }
0xc7: {  	v6 =	vmov s0;
	v9 =	vshrl.u32 v7, $0x7  }
0xc8: {  	vm0 =	vlt.u32 v6, $0x4900;
	v6 =	vmul.u32 $0xA000, v9;
	v9 =	vsub.s32 v8, v0  }
0xc9: {  	s17 =	simm.s32 $0x10;
	p0 =	por $0x1, $0x1;
	vm1 =	vge.s32 v8, v0;
	vm2 =	vlt.s32 v8, v1;
	v8 =	vshll.u32 v9, $0x7  }
.Ltmp10:
0xca: {  	v6 =	vadd.s32 v8, v6;
	v8 =	vand.u32 $0x7F, v7;
	v7 =	vld [tilespmem:s17+$0x3880];
	(pc) =	sbr.rel @!p0 .LBB2_21-.Ltmp10, $4  }
0xcb: {  	v6 =	vor.u32 v8, v6;
	v8 =	vld [tilespmem:s17+$0x3800]  }
0xcc: {  	vm0 =	vmand vm0, vm1  }
0xcd: {  	s20 =	simm.s32 $0x80;
	v9 =	vor.u32 s0, v5;
	vm0 =	vmand vm2, vm0  }
0xce: {  	s31 =	sadd.s32 $0x10, s0;
	p1 =	por $0x1, $0x1;
	s19 =	simm.s32 $0x0;
	v9 =	vsel vm0, v6, v9;
	v6 =	vsel vm0, $0x3F800000, v4  }
.LBB2_22:
0xcf: {  	s21 =	sshra.s32 s20, $0x2;
	p4 =	sne.s32 s20, $0x1C0;
	s20 =	sadd.s32 $0x40, s20;
	v10 =	vmov s31;
	v11 =	vshrl.u32 v7, $0x7;
	[tilespmem:s19+$0x4180] =	vst v9;
	v9 =	vmov v7  }
.Ltmp11:
0xd0: {  	v7 =	vld [tilespmem:s21+$0x3880];
	vm0 =	vlt.u32 v10, $0x4900;
	v10 =	vmul.u32 $0xA000, v11;
	v11 =	vsub.s32 v8, v0;
	[tilespmem:s19+$0x4700] =	vst v6;
	s19 =	smov.u32 s17;
	s17 =	smov.u32 s21;
	(pc) =	sbr.rel @p4 .LBB2_22-.Ltmp11, $4  }
0xd1: {  	vm1 =	vge.s32 v8, v0;
	vm2 =	vlt.s32 v8, v1;
	v8 =	vld [tilespmem:s17+$0x3800];
	v6 =	vshll.u32 v11, $0x7  }
0xd2: {  	v9 =	vand.u32 $0x7F, v9;
	vm0 =	vmand vm0, vm1;
	v6 =	vadd.s32 v6, v10  }
0xd3: {  	v10 =	vor.u32 s31, v5;
	vm0 =	vmand vm2, vm0;
	v6 =	vor.u32 v9, v6  }
0xd4: {  	s31 =	sadd.s32 $0x10, s31;
	v9 =	vsel vm0, v6, v10;
	v6 =	vsel vm0, $0x3F800000, v4  }
.LBB2_23:
0xd5: {  	v10 =	vmov s31;
	v11 =	vshrl.u32 v7, $0x7  }
0xd6: {  	vm0 =	vlt.u32 v10, $0x4900;
	v10 =	vmul.u32 $0xA000, v11;
	v11 =	vsub.s32 v8, v0  }
0xd7: {  	v7 =	vand.u32 $0x7F, v7;
	vm1 =	vge.s32 v8, v0;
	v11 =	vshll.u32 v11, $0x7  }
0xd8: {  	vm15 =	vlt.s32 v8, v1;
	vm0 =	vmand vm0, vm1;
	v10 =	vadd.s32 v11, v10  }
0xd9: {  	[tilespmem:s19+$0x4180] =	vst @p1 v9;
	v8 =	vor.u32 s31, v5;
	vm0 =	vmand vm15, vm0;
	v7 =	vor.u32 v7, v10  }
.Ltmp12:
0xda: {  	[tilespmem:s19+$0x4700] =	vst @p1 v6;
	v6 =	vsel vm0, v7, v8;
	(pc) =	sbr.rel @!p5 .LBB2_24-.Ltmp12, $4  }
0xdb: {  	v7 =	vsel vm0, $0x3F800000, v4;
	[tilespmem:s17+$0x4180] =	vst v6  }
0xdc: {  	[tilespmem:s17+$0x4700] =	vst v7  }
0xdd: {  	v7 =	vld [tilespmem:s16+$0x3980]  }
0xde: {  	v8 =	vld [tilespmem:s16+$0x3900]  }
0xdf: {  	_ =	sdelay $0x2  }
0xe0: {  	v6 =	vmov s4;
	v9 =	vshrl.u32 v7, $0x7  }
0xe1: {  	vm0 =	vlt.u32 v6, $0x4900;
	v6 =	vmul.u32 $0xA000, v9;
	v9 =	vsub.s32 v8, v0  }
0xe2: {  	s19 =	simm.s32 $0x10;
	p0 =	por $0x1, $0x1;
	vm1 =	vge.s32 v8, v0;
	vm2 =	vlt.s32 v8, v1;
	v8 =	vshll.u32 v9, $0x7  }
.Ltmp13:
0xe3: {  	v6 =	vadd.s32 v8, v6;
	v8 =	vand.u32 $0x7F, v7;
	v7 =	vld [tilespmem:s19+$0x3980];
	(pc) =	sbr.rel @!p0 .LBB2_26-.Ltmp13, $4  }
0xe4: {  	v6 =	vor.u32 v8, v6;
	v8 =	vld [tilespmem:s19+$0x3900]  }
0xe5: {  	vm0 =	vmand vm0, vm1  }
0xe6: {  	v9 =	vor.u32 s4, v5;
	vm0 =	vmand vm2, vm0  }
0xe7: {  	s20 =	simm.s32 $0x80;
	s17 =	sadd.s32 $0x10, s4;
	p2 =	por $0x1, $0x1;
	v9 =	vsel vm0, v6, v9;
	v6 =	vsel vm0, $0x3F800000, v4  }
.LBB2_27:
0xe8: {  	s21 =	sshra.s32 s20, $0x2;
	p1 =	sne.s32 s20, $0x1C0;
	s20 =	sadd.s32 $0x40, s20;
	v10 =	vmov s17;
	v11 =	vshrl.u32 v7, $0x7;
	[tilespmem:s16+$0x4200] =	vst v9;
	v9 =	vmov v7  }
.Ltmp14:
0xe9: {  	v7 =	vld [tilespmem:s21+$0x3980];
	vm0 =	vlt.u32 v10, $0x4900;
	v10 =	vmul.u32 $0xA000, v11;
	v11 =	vsub.s32 v8, v0;
	[tilespmem:s16+$0x4780] =	vst v6;
	s16 =	smov.u32 s19;
	s19 =	smov.u32 s21;
	(pc) =	sbr.rel @p1 .LBB2_27-.Ltmp14, $4  }
0xea: {  	vm1 =	vge.s32 v8, v0;
	vm2 =	vlt.s32 v8, v1;
	v8 =	vld [tilespmem:s19+$0x3900];
	v6 =	vshll.u32 v11, $0x7  }
0xeb: {  	v9 =	vand.u32 $0x7F, v9;
	vm0 =	vmand vm0, vm1;
	v6 =	vadd.s32 v6, v10  }
0xec: {  	v10 =	vor.u32 s17, v5;
	vm0 =	vmand vm2, vm0;
	v6 =	vor.u32 v9, v6  }
0xed: {  	s17 =	sadd.s32 $0x10, s17;
	v9 =	vsel vm0, v6, v10;
	v6 =	vsel vm0, $0x3F800000, v4  }
0xee: {  	s20 =	smov.u32 s16;
	s16 =	smov.u32 s19  }
.LBB2_29:
0xef: {  	v10 =	vmov s17;
	v11 =	vshrl.u32 v7, $0x7  }
0xf0: {  	vm0 =	vlt.u32 v10, $0x4900;
	v10 =	vmul.u32 $0xA000, v11;
	v11 =	vsub.s32 v8, v0  }
0xf1: {  	vm1 =	vge.s32 v8, v0;
	vm15 =	vlt.s32 v8, v1;
	v11 =	vshll.u32 v11, $0x7  }
0xf2: {  	v7 =	vand.u32 $0x7F, v7;
	vm0 =	vmand vm0, vm1;
	v10 =	vadd.s32 v11, v10  }
0xf3: {  	[tilespmem:s20+$0x4200] =	vst @p2 v9;
	p5 =	por $0x1, $0x1;
	v8 =	vor.u32 s17, v5;
	vm0 =	vmand vm15, vm0;
	v7 =	vor.u32 v7, v10  }
.Ltmp15:
0xf4: {  	[tilespmem:s20+$0x4780] =	vst @p2 v6;
	v6 =	vsel vm0, v7, v8;
	(pc) =	sbr.rel @!p5 .LBB2_30-.Ltmp15, $4  }
0xf5: {  	v7 =	vsel vm0, $0x3F800000, v4;
	[tilespmem:s16+$0x4200] =	vst v6  }
0xf6: {  	[tilespmem:s16+$0x4780] =	vst v7;
	s16 =	simm.s32 $0x0  }
0xf7: {  	v7 =	vld [tilespmem:s16+$0x3A80]  }
0xf8: {  	p2 =	por $0x0, $0x0;
	v8 =	vld [tilespmem:s16+$0x3A00]  }
0xf9: {  	_ =	sdelay $0x2  }
0xfa: {  	v6 =	vmov s1;
	v9 =	vshrl.u32 v7, $0x7  }
0xfb: {  	vm0 =	vlt.u32 v6, $0x4900;
	v6 =	vmul.u32 $0xA000, v9;
	v9 =	vsub.s32 v8, v0  }
0xfc: {  	s17 =	simm.s32 $0x10;
	p0 =	por $0x1, $0x1;
	vm1 =	vge.s32 v8, v0;
	vm2 =	vlt.s32 v8, v1;
	v8 =	vshll.u32 v9, $0x7  }
.Ltmp16:
0xfd: {  	v6 =	vadd.s32 v8, v6;
	v8 =	vand.u32 $0x7F, v7;
	v7 =	vld [tilespmem:s17+$0x3A80];
	(pc) =	sbr.rel @!p0 .LBB2_32-.Ltmp16, $4  }
0xfe: {  	v6 =	vor.u32 v8, v6;
	v8 =	vld [tilespmem:s17+$0x3A00]  }
0xff: {  	vm0 =	vmand vm0, vm1  }
0x100: {  	s20 =	simm.s32 $0x80;
	v9 =	vor.u32 s1, v5;
	vm0 =	vmand vm2, vm0  }
0x101: {  	s31 =	sadd.s32 $0x10, s1;
	p1 =	por $0x1, $0x1;
	s19 =	simm.s32 $0x0;
	v9 =	vsel vm0, v6, v9;
	v6 =	vsel vm0, $0x3F800000, v4  }
.LBB2_33:
0x102: {  	s21 =	sshra.s32 s20, $0x2;
	p4 =	sne.s32 s20, $0x1C0;
	s20 =	sadd.s32 $0x40, s20;
	v10 =	vmov s31;
	v11 =	vshrl.u32 v7, $0x7;
	[tilespmem:s19+$0x4280] =	vst v9;
	v9 =	vmov v7  }
.Ltmp17:
0x103: {  	v7 =	vld [tilespmem:s21+$0x3A80];
	vm0 =	vlt.u32 v10, $0x4900;
	v10 =	vmul.u32 $0xA000, v11;
	v11 =	vsub.s32 v8, v0;
	[tilespmem:s19+$0x4800] =	vst v6;
	s19 =	smov.u32 s17;
	s17 =	smov.u32 s21;
	(pc) =	sbr.rel @p4 .LBB2_33-.Ltmp17, $4  }
0x104: {  	vm1 =	vge.s32 v8, v0;
	vm2 =	vlt.s32 v8, v1;
	v8 =	vld [tilespmem:s17+$0x3A00];
	v6 =	vshll.u32 v11, $0x7  }
0x105: {  	v9 =	vand.u32 $0x7F, v9;
	vm0 =	vmand vm0, vm1;
	v6 =	vadd.s32 v6, v10  }
0x106: {  	v10 =	vor.u32 s31, v5;
	vm0 =	vmand vm2, vm0;
	v6 =	vor.u32 v9, v6  }
0x107: {  	s31 =	sadd.s32 $0x10, s31;
	v9 =	vsel vm0, v6, v10;
	v6 =	vsel vm0, $0x3F800000, v4  }
.LBB2_34:
0x108: {  	v10 =	vmov s31;
	v11 =	vshrl.u32 v7, $0x7  }
0x109: {  	vm0 =	vlt.u32 v10, $0x4900;
	v10 =	vmul.u32 $0xA000, v11;
	v11 =	vsub.s32 v8, v0  }
0x10a: {  	v7 =	vand.u32 $0x7F, v7;
	vm1 =	vge.s32 v8, v0;
	v11 =	vshll.u32 v11, $0x7  }
0x10b: {  	vm15 =	vlt.s32 v8, v1;
	vm0 =	vmand vm0, vm1;
	v10 =	vadd.s32 v11, v10  }
0x10c: {  	[tilespmem:s19+$0x4280] =	vst @p1 v9;
	v8 =	vor.u32 s31, v5;
	vm0 =	vmand vm15, vm0;
	v7 =	vor.u32 v7, v10  }
.Ltmp18:
0x10d: {  	[tilespmem:s19+$0x4800] =	vst @p1 v6;
	v6 =	vsel vm0, v7, v8;
	(pc) =	sbr.rel @!p5 .LBB2_35-.Ltmp18, $4  }
0x10e: {  	v7 =	vsel vm0, $0x3F800000, v4;
	[tilespmem:s17+$0x4280] =	vst v6  }
0x10f: {  	[tilespmem:s17+$0x4800] =	vst v7  }
0x110: {  	v7 =	vld [tilespmem:s16+$0x3B80]  }
0x111: {  	v8 =	vld [tilespmem:s16+$0x3B00]  }
0x112: {  	_ =	sdelay $0x2  }
0x113: {  	v6 =	vmov s6;
	v9 =	vshrl.u32 v7, $0x7  }
0x114: {  	vm0 =	vlt.u32 v6, $0x4900;
	v6 =	vmul.u32 $0xA000, v9;
	v9 =	vsub.s32 v8, v0  }
0x115: {  	s19 =	simm.s32 $0x10;
	p0 =	por $0x1, $0x1;
	vm1 =	vge.s32 v8, v0;
	vm2 =	vlt.s32 v8, v1;
	v8 =	vshll.u32 v9, $0x7  }
.Ltmp19:
0x116: {  	v6 =	vadd.s32 v8, v6;
	v8 =	vand.u32 $0x7F, v7;
	v7 =	vld [tilespmem:s19+$0x3B80];
	(pc) =	sbr.rel @!p0 .LBB2_37-.Ltmp19, $4  }
0x117: {  	v6 =	vor.u32 v8, v6;
	v8 =	vld [tilespmem:s19+$0x3B00]  }
0x118: {  	vm0 =	vmand vm0, vm1  }
0x119: {  	v9 =	vor.u32 s6, v5;
	vm0 =	vmand vm2, vm0  }
0x11a: {  	s20 =	simm.s32 $0x80;
	s17 =	sadd.s32 $0x10, s6;
	p2 =	por $0x1, $0x1;
	v9 =	vsel vm0, v6, v9;
	v6 =	vsel vm0, $0x3F800000, v4  }
.LBB2_38:
0x11b: {  	s21 =	sshra.s32 s20, $0x2;
	p1 =	sne.s32 s20, $0x1C0;
	s20 =	sadd.s32 $0x40, s20;
	v10 =	vmov s17;
	v11 =	vshrl.u32 v7, $0x7;
	[tilespmem:s16+$0x4300] =	vst v9;
	v9 =	vmov v7  }
.Ltmp20:
0x11c: {  	v7 =	vld [tilespmem:s21+$0x3B80];
	vm0 =	vlt.u32 v10, $0x4900;
	v10 =	vmul.u32 $0xA000, v11;
	v11 =	vsub.s32 v8, v0;
	[tilespmem:s16+$0x4880] =	vst v6;
	s16 =	smov.u32 s19;
	s19 =	smov.u32 s21;
	(pc) =	sbr.rel @p1 .LBB2_38-.Ltmp20, $4  }
0x11d: {  	vm1 =	vge.s32 v8, v0;
	vm2 =	vlt.s32 v8, v1;
	v8 =	vld [tilespmem:s19+$0x3B00];
	v6 =	vshll.u32 v11, $0x7  }
0x11e: {  	v9 =	vand.u32 $0x7F, v9;
	vm0 =	vmand vm0, vm1;
	v6 =	vadd.s32 v6, v10  }
0x11f: {  	v10 =	vor.u32 s17, v5;
	vm0 =	vmand vm2, vm0;
	v6 =	vor.u32 v9, v6  }
0x120: {  	s17 =	sadd.s32 $0x10, s17;
	v9 =	vsel vm0, v6, v10;
	v6 =	vsel vm0, $0x3F800000, v4  }
0x121: {  	s20 =	smov.u32 s16;
	s16 =	smov.u32 s19  }
.LBB2_40:
0x122: {  	v10 =	vmov s17;
	v11 =	vshrl.u32 v7, $0x7  }
0x123: {  	vm0 =	vlt.u32 v10, $0x4900;
	v10 =	vmul.u32 $0xA000, v11;
	v11 =	vsub.s32 v8, v0  }
0x124: {  	vm1 =	vge.s32 v8, v0;
	vm15 =	vlt.s32 v8, v1;
	v11 =	vshll.u32 v11, $0x7  }
0x125: {  	v7 =	vand.u32 $0x7F, v7;
	vm0 =	vmand vm0, vm1;
	v10 =	vadd.s32 v11, v10  }
0x126: {  	[tilespmem:s20+$0x4300] =	vst @p2 v9;
	p5 =	por $0x1, $0x1;
	v8 =	vor.u32 s17, v5;
	vm0 =	vmand vm15, vm0;
	v7 =	vor.u32 v7, v10  }
.Ltmp21:
0x127: {  	[tilespmem:s20+$0x4880] =	vst @p2 v6;
	v6 =	vsel vm0, v7, v8;
	(pc) =	sbr.rel @!p5 .LBB2_41-.Ltmp21, $4  }
0x128: {  	v7 =	vsel vm0, $0x3F800000, v4;
	[tilespmem:s16+$0x4300] =	vst v6  }
0x129: {  	[tilespmem:s16+$0x4880] =	vst v7;
	s16 =	simm.s32 $0x0  }
0x12a: {  	v7 =	vld [tilespmem:s16+$0x3C80]  }
0x12b: {  	p2 =	por $0x0, $0x0;
	v8 =	vld [tilespmem:s16+$0x3C00]  }
0x12c: {  	_ =	sdelay $0x2  }
0x12d: {  	v6 =	vmov s7;
	v9 =	vshrl.u32 v7, $0x7  }
0x12e: {  	vm0 =	vlt.u32 v6, $0x4900;
	v6 =	vmul.u32 $0xA000, v9;
	v9 =	vsub.s32 v8, v0  }
0x12f: {  	s17 =	simm.s32 $0x10;
	p0 =	por $0x1, $0x1;
	vm1 =	vge.s32 v8, v0;
	vm2 =	vlt.s32 v8, v1;
	v8 =	vshll.u32 v9, $0x7  }
.Ltmp22:
0x130: {  	v6 =	vadd.s32 v8, v6;
	v8 =	vand.u32 $0x7F, v7;
	v7 =	vld [tilespmem:s17+$0x3C80];
	(pc) =	sbr.rel @!p0 .LBB2_43-.Ltmp22, $4  }
0x131: {  	v6 =	vor.u32 v8, v6;
	v8 =	vld [tilespmem:s17+$0x3C00]  }
0x132: {  	vm0 =	vmand vm0, vm1  }
0x133: {  	s20 =	simm.s32 $0x80;
	v9 =	vor.u32 s7, v5;
	vm0 =	vmand vm2, vm0  }
0x134: {  	s31 =	sadd.s32 $0x10, s7;
	p1 =	por $0x1, $0x1;
	s19 =	simm.s32 $0x0;
	v9 =	vsel vm0, v6, v9;
	v6 =	vsel vm0, $0x3F800000, v4  }
.LBB2_44:
0x135: {  	s21 =	sshra.s32 s20, $0x2;
	p4 =	sne.s32 s20, $0x1C0;
	s20 =	sadd.s32 $0x40, s20;
	v10 =	vmov s31;
	v11 =	vshrl.u32 v7, $0x7;
	[tilespmem:s19+$0x4380] =	vst v9;
	v9 =	vmov v7  }
.Ltmp23:
0x136: {  	v7 =	vld [tilespmem:s21+$0x3C80];
	vm0 =	vlt.u32 v10, $0x4900;
	v10 =	vmul.u32 $0xA000, v11;
	v11 =	vsub.s32 v8, v0;
	[tilespmem:s19+$0x4900] =	vst v6;
	s19 =	smov.u32 s17;
	s17 =	smov.u32 s21;
	(pc) =	sbr.rel @p4 .LBB2_44-.Ltmp23, $4  }
0x137: {  	vm1 =	vge.s32 v8, v0;
	vm2 =	vlt.s32 v8, v1;
	v8 =	vld [tilespmem:s17+$0x3C00];
	v6 =	vshll.u32 v11, $0x7  }
0x138: {  	v9 =	vand.u32 $0x7F, v9;
	vm0 =	vmand vm0, vm1;
	v6 =	vadd.s32 v6, v10  }
0x139: {  	v10 =	vor.u32 s31, v5;
	vm0 =	vmand vm2, vm0;
	v6 =	vor.u32 v9, v6  }
0x13a: {  	s31 =	sadd.s32 $0x10, s31;
	v9 =	vsel vm0, v6, v10;
	v6 =	vsel vm0, $0x3F800000, v4  }
.LBB2_45:
0x13b: {  	v10 =	vmov s31;
	v11 =	vshrl.u32 v7, $0x7  }
0x13c: {  	vm0 =	vlt.u32 v10, $0x4900;
	v10 =	vmul.u32 $0xA000, v11;
	v11 =	vsub.s32 v8, v0  }
0x13d: {  	v7 =	vand.u32 $0x7F, v7;
	vm1 =	vge.s32 v8, v0;
	v11 =	vshll.u32 v11, $0x7  }
0x13e: {  	vm15 =	vlt.s32 v8, v1;
	vm0 =	vmand vm0, vm1;
	v10 =	vadd.s32 v11, v10  }
0x13f: {  	[tilespmem:s19+$0x4380] =	vst @p1 v9;
	v8 =	vor.u32 s31, v5;
	vm0 =	vmand vm15, vm0;
	v7 =	vor.u32 v7, v10  }
.Ltmp24:
0x140: {  	[tilespmem:s19+$0x4900] =	vst @p1 v6;
	v6 =	vsel vm0, v7, v8;
	(pc) =	sbr.rel @!p5 .LBB2_46-.Ltmp24, $4  }
0x141: {  	v7 =	vsel vm0, $0x3F800000, v4;
	[tilespmem:s17+$0x4380] =	vst v6  }
0x142: {  	[tilespmem:s17+$0x4900] =	vst v7  }
0x143: {  	v7 =	vld [tilespmem:s16+$0x3D80]  }
0x144: {  	v8 =	vld [tilespmem:s16+$0x3D00]  }
0x145: {  	_ =	sdelay $0x2  }
0x146: {  	v6 =	vmov s9;
	v9 =	vshrl.u32 v7, $0x7  }
0x147: {  	vm0 =	vlt.u32 v6, $0x4900;
	v6 =	vmul.u32 $0xA000, v9;
	v9 =	vsub.s32 v8, v0  }
0x148: {  	s19 =	simm.s32 $0x10;
	p0 =	por $0x1, $0x1;
	vm1 =	vge.s32 v8, v0;
	vm2 =	vlt.s32 v8, v1;
	v8 =	vshll.u32 v9, $0x7  }
.Ltmp25:
0x149: {  	v6 =	vadd.s32 v8, v6;
	v8 =	vand.u32 $0x7F, v7;
	v7 =	vld [tilespmem:s19+$0x3D80];
	(pc) =	sbr.rel @!p0 .LBB2_48-.Ltmp25, $4  }
0x14a: {  	v6 =	vor.u32 v8, v6;
	v8 =	vld [tilespmem:s19+$0x3D00]  }
0x14b: {  	vm0 =	vmand vm0, vm1  }
0x14c: {  	v9 =	vor.u32 s9, v5;
	vm0 =	vmand vm2, vm0  }
0x14d: {  	s20 =	simm.s32 $0x80;
	s17 =	sadd.s32 $0x10, s9;
	p2 =	por $0x1, $0x1;
	v9 =	vsel vm0, v6, v9;
	v6 =	vsel vm0, $0x3F800000, v4  }
.LBB2_49:
0x14e: {  	s21 =	sshra.s32 s20, $0x2;
	p1 =	sne.s32 s20, $0x1C0;
	s20 =	sadd.s32 $0x40, s20;
	v10 =	vmov s17;
	v11 =	vshrl.u32 v7, $0x7;
	[tilespmem:s16+$0x4400] =	vst v9;
	v9 =	vmov v7  }
.Ltmp26:
0x14f: {  	v7 =	vld [tilespmem:s21+$0x3D80];
	vm0 =	vlt.u32 v10, $0x4900;
	v10 =	vmul.u32 $0xA000, v11;
	v11 =	vsub.s32 v8, v0;
	[tilespmem:s16+$0x4980] =	vst v6;
	s16 =	smov.u32 s19;
	s19 =	smov.u32 s21;
	(pc) =	sbr.rel @p1 .LBB2_49-.Ltmp26, $4  }
0x150: {  	vm1 =	vge.s32 v8, v0;
	vm2 =	vlt.s32 v8, v1;
	v8 =	vld [tilespmem:s19+$0x3D00];
	v6 =	vshll.u32 v11, $0x7  }
0x151: {  	v9 =	vand.u32 $0x7F, v9;
	vm0 =	vmand vm0, vm1;
	v6 =	vadd.s32 v6, v10  }
0x152: {  	v10 =	vor.u32 s17, v5;
	vm0 =	vmand vm2, vm0;
	v6 =	vor.u32 v9, v6  }
0x153: {  	s17 =	sadd.s32 $0x10, s17;
	v9 =	vsel vm0, v6, v10;
	v6 =	vsel vm0, $0x3F800000, v4  }
0x154: {  	s20 =	smov.u32 s16;
	s16 =	smov.u32 s19  }
.LBB2_51:
0x155: {  	v10 =	vmov s17;
	v11 =	vshrl.u32 v7, $0x7  }
0x156: {  	vm0 =	vlt.u32 v10, $0x4900;
	v10 =	vmul.u32 $0xA000, v11;
	v11 =	vsub.s32 v8, v0  }
0x157: {  	vm1 =	vge.s32 v8, v0;
	vm2 =	vlt.s32 v8, v1;
	v8 =	vshll.u32 v11, $0x7  }
0x158: {  	v7 =	vand.u32 $0x7F, v7;
	vm0 =	vmand vm0, vm1;
	v8 =	vadd.s32 v8, v10  }
0x159: {  	[tilespmem:s20+$0x4400] =	vst @p2 v9;
	v9 =	vor.u32 s17, v5;
	vm0 =	vmand vm2, vm0;
	v7 =	vor.u32 v7, v8  }
0x15a: {  	[tilespmem:s20+$0x4980] =	vst @p2 v6;
	v6 =	vsel vm0, v7, v9  }
0x15b: {  	v7 =	vsel vm0, $0x3F800000, v4;
	[tilespmem:s16+$0x4400] =	vst v6  }
0x15c: {  	[tilespmem:s16+$0x4980] =	vst v7  }
0x15d: {  	v6 =	vld @p3 [tilespmem:$0x3E20]  }
0x15e: {  	v7 =	vld @p3 [tilespmem:$0x3E00]  }
0x15f: {  	v8 =	vld @p3 [tilespmem:$0x3E10];
	_ =	sdelay $0x1  }
0x160: {  	v10 =	vld @p3 [tilespmem:$0x3E30]  }
0x161: {  	v9 =	vshrl.u32 @p3 v6, $0x7  }
0x162: {  	v11 =	vsub.s32 @p3 v7, v0;
	vm0 =	vge.s32 @p3 v7, v0;
	vm1 =	vlt.s32 @p3 v7, v1  }
0x163: {  	v6 =	vand.u32 @p3 $0x7F, v6;
	vm2 =	vlt.s32 @p3 v8, v1;
	v9 =	vmul.u32 @p3 $0xA000, v9  }
0x164: {  	v11 =	vshll.u32 @p3 v11, $0x7;
	vm0 =	vmand @p3 vm0, vm1;
	vm1 =	vge.s32 @p3 v8, v0  }
0x165: {  	v8 =	vsub.s32 @p3 v8, v0;
	v7 =	vadd.s32 @p3 v11, v9;
	v9 =	vshrl.u32 @p3 v10, $0x7  }
0x166: {  	vm1 =	vmand @p3 vm1, vm2;
	v8 =	vshll.u32 @p3 v8, $0x7;
	v9 =	vmul.u32 @p3 $0xA000, v9  }
0x167: {  	v10 =	vand.u32 @p3 $0x7F, v10;
	v6 =	vor.u32 @p3 v6, v7;
	v7 =	vlaneseq.u32 @p3  }
0x168: {  	v6 =	vsel @p3 vm0, v6, v7;
	v8 =	vadd.s32 @p3 v8, v9;
	v9 =	vimm.f32 @p3 $0.0e+00  }
0x169: {  	v7 =	vor.u32 @p3 $0x10, v7;
	[tilespmem:$0x3F80] =	vst @p3 v6;
	v6 =	vsel @p3 vm0, $0x3F800000, v9;
	v8 =	vor.u32 @p3 v10, v8  }
0x16a: {  	[tilespmem:$0x4500] =	vst @p3 v6;
	v6 =	vsel @p3 vm1, v8, v7  }
0x16b: {  	[tilespmem:$0x3F90] =	vst @p3 v6;
	v6 =	vsel @p3 vm1, $0x3F800000, v9  }
0x16c: {  	s16 =	simm.s32 $0x0;
	[tilespmem:$0x4510] =	vst @p3 v6  }
0x16d: {  	v7 =	vld [tilespmem:s16+$0x3E80];
	_ =	sdelay $0x1  }
0x16e: {  	v6 =	vld [tilespmem:s16+$0x3F00];
	_ =	sdelay $0x1  }
0x16f: {  	s17 =	simm.s32 $0x40;
	s19 =	smov.u32 s29;
	v8 =	vor.u32 s29, v5;
	v9 =	vmov s29  }
.LBB2_52:
0x170: {  	s20 =	sshra.s32 s17, $0x2;
	p1 =	sne.s32 s17, $0x1C0;
	s17 =	sadd.s32 $0x40, s17;
	vm0 =	vlt.u32 v9, $0x580;
	vm1 =	vge.s32 v7, v2;
	v9 =	vsub.s32 v7, v2  }
.Ltmp27:
0x171: {  	vm0 =	vmand vm0, vm1;
	vm1 =	vlt.s32 v7, v3;
	v7 =	vld [tilespmem:s20+$0x3E80];
	v9 =	vshll.u32 v9, $0x7;
	(pc) =	sbr.rel @p1 .LBB2_52-.Ltmp27, $4  }
0x172: {  	vm0 =	vmand vm1, vm0;
	v9 =	vadd.s32 v6, v9;
	v6 =	vld [tilespmem:s20+$0x3F00]  }
0x173: {  	v10 =	vsel vm0, v9, v8;
	v8 =	vsel vm0, $0x3F800000, v4  }
0x174: {  	s19 =	sadd.s32 $0x10, s19;
	[tilespmem:s16+$0x4A00] =	vst v8  }
0x175: {  	v9 =	vmov s19;
	v8 =	vor.u32 s19, v5;
	[tilespmem:s16+$0x4480] =	vst v10;
	s16 =	smov.u32 s20  }
0x176: {  	vm0 =	vlt.u32 v9, $0x580;
	vm1 =	vge.s32 v7, v2  }
0x177: {  	v63 =	vsub.s32 v7, v2;
	vm15 =	vlt.s32 v7, v3;
	vm0 =	vmand vm0, vm1  }
0x178: {  	v7 =	vshll.u32 v63, $0x7;
	vm0 =	vmand vm15, vm0  }
0x179: {  	v6 =	vadd.s32 v6, v7;
	v7 =	vsel vm0, $0x3F800000, v4  }
0x17a: {  	v6 =	vsel vm0, v6, v8;
	[tilespmem:s16+$0x4A00] =	vst v7  }
0x17b: {  	[tilespmem:s16+$0x4480] =	vst v6  }
0x17c: {  	_ =	swait.ge [sflag:s12], $0xA00  }
0x17d: {  	[sflag:s12] =	ssyncset.done $0x0  }
0x17e: {  	[sflag:s12] =	ssyncadd.s32 $0xFFFFF600  }
0x17f: {  	_ =	swait.ge [sflag:s12], $0xA00  }
0x180: {  	[sflag:s12] =	ssyncset.done $0x0  }
0x181: {  	[sflag:s12] =	ssyncadd.s32 $0xFFFFF600  }
0x182: {  	_ =	swait.ge [sflag:s12], $0xA00  }
0x183: {  	[sflag:s12] =	ssyncset.done $0x0  }
0x184: {  	[sflag:s12] =	ssyncadd.s32 $0xFFFFF600  }
0x185: {  	_ =	swait.ge [sflag:s12], $0xA00  }
0x186: {  	[sflag:s12] =	ssyncset.done $0x0  }
0x187: {  	[sflag:s12] =	ssyncadd.s32 $0xFFFFF600  }
0x188: {  	_ =	swait.ge [sflag:s12], $0xA00  }
0x189: {  	[sflag:s12] =	ssyncset.done $0x0  }
0x18a: {  	[sflag:s12] =	ssyncadd.s32 $0xFFFFF600  }
0x18b: {  	_ =	swait.ge [sflag:s12], $0x200  }
0x18c: {  	[sflag:s12] =	ssyncset.done $0x0  }
0x18d: {  	[sflag:s12] =	ssyncadd.s32 $0xFFFFFE00  }
0x18e: {  	s21 =	simm.s32 $0x3F80;
	s17 =	simm.s32 $0x4500;
	[bflag:$0x0] =	sbarrier.arrive $0xFFFF  }
0x18f: {  	[spmem:s3] =	stream.indirect.scatter.add.f32 [tilespmem:s17], [sflag:$0x2], $0x1, s21, s14, $0xb8;
	[tilespmem:$0x5480] =	vst v63  }
0x190: {  	s22 =	simm.s32 $0x4000;
	s31 =	simm.s32 $0x4580  }
0x191: {  	[spmem:s3] =	stream.indirect.scatter.add.f32 [tilespmem:s31], [sflag:$0x2], $0x1, s22, s14, $0xb8;
	[tilespmem:$0x5480] =	vst v63  }
0x192: {  	s19 =	simm.s32 $0x4600;
	s17 =	simm.s32 $0x4080  }
0x193: {  	[spmem:s3] =	stream.indirect.scatter.add.f32 [tilespmem:s19], [sflag:$0x2], $0x1, s17, s14, $0xb8;
	[tilespmem:$0x5480] =	vst v63  }
0x194: {  	s20 =	simm.s32 $0x4100;
	s21 =	simm.s32 $0x4680  }
0x195: {  	[spmem:s3] =	stream.indirect.scatter.add.f32 [tilespmem:s21], [sflag:$0x2], $0x1, s20, s14, $0xb8;
	[tilespmem:$0x5480] =	vst v63  }
0x196: {  	s22 =	simm.s32 $0x4180;
	s31 =	simm.s32 $0x4700  }
0x197: {  	[spmem:s3] =	stream.indirect.scatter.add.f32 [tilespmem:s31], [sflag:$0x2], $0x1, s22, s14, $0xb8;
	[tilespmem:$0x5480] =	vst v63  }
0x198: {  	s17 =	simm.s32 $0x4200;
	s19 =	simm.s32 $0x4780  }
0x199: {  	[spmem:s3] =	stream.indirect.scatter.add.f32 [tilespmem:s19], [sflag:$0x2], $0x1, s17, s14, $0xb8;
	[tilespmem:$0x5480] =	vst v63  }
0x19a: {  	s20 =	simm.s32 $0x4280;
	s21 =	simm.s32 $0x4800  }
0x19b: {  	[spmem:s3] =	stream.indirect.scatter.add.f32 [tilespmem:s21], [sflag:$0x2], $0x1, s20, s14, $0xb8;
	[tilespmem:$0x5480] =	vst v63  }
0x19c: {  	s22 =	simm.s32 $0x4300;
	s31 =	simm.s32 $0x4880  }
0x19d: {  	[spmem:s3] =	stream.indirect.scatter.add.f32 [tilespmem:s31], [sflag:$0x2], $0x1, s22, s14, $0xb8;
	[tilespmem:$0x5480] =	vst v63  }
0x19e: {  	s17 =	simm.s32 $0x4380;
	s19 =	simm.s32 $0x4900  }
0x19f: {  	[spmem:s3] =	stream.indirect.scatter.add.f32 [tilespmem:s19], [sflag:$0x2], $0x1, s17, s14, $0xb8;
	[tilespmem:$0x5480] =	vst v63  }
0x1a0: {  	s20 =	simm.s32 $0x4400;
	s21 =	simm.s32 $0x4980  }
0x1a1: {  	[spmem:s3] =	stream.indirect.scatter.add.f32 [tilespmem:s21], [sflag:$0x2], $0x1, s20, s14, $0xb8;
	[tilespmem:$0x5480] =	vst v63  }
0x1a2: {  	s22 =	rddreg [dreg:$0x6];
	s31 =	simm.s32 $0x4480;
	s19 =	simm.s32 $0x4A00  }
0x1a3: {  	[spmem:s22] =	stream.indirect.scatter.add.f32 [tilespmem:s19], [sflag:$0x2], $0x1, s31, s14, $0xb8;
	[tilespmem:$0x5480] =	vst v63  }
0x1a4: {  	_ =	swait.ge [sflag:s15], $0x80  }
0x1a5: {  	[sflag:s15] =	ssyncset.done $0x0  }
0x1a6: {  	[sflag:s15] =	ssyncadd.s32 $0xFFFFFF80  }
0x1a7: {  	_ =	swait.ge [sflag:s15], $0x80  }
0x1a8: {  	[sflag:s15] =	ssyncset.done $0x0  }
0x1a9: {  	[sflag:s15] =	ssyncadd.s32 $0xFFFFFF80  }
0x1aa: {  	_ =	swait.ge [sflag:s15], $0x80  }
0x1ab: {  	[sflag:s15] =	ssyncset.done $0x0  }
0x1ac: {  	[sflag:s15] =	ssyncadd.s32 $0xFFFFFF80  }
0x1ad: {  	_ =	swait.ge [sflag:s15], $0x80  }
0x1ae: {  	[sflag:s15] =	ssyncset.done $0x0  }
0x1af: {  	[sflag:s15] =	ssyncadd.s32 $0xFFFFFF80  }
0x1b0: {  	_ =	swait.ge [sflag:s15], $0x80  }
0x1b1: {  	[sflag:s15] =	ssyncset.done $0x0  }
0x1b2: {  	[sflag:s15] =	ssyncadd.s32 $0xFFFFFF80  }
0x1b3: {  	_ =	swait.ge [sflag:s15], $0x80  }
0x1b4: {  	[sflag:s15] =	ssyncset.done $0x0  }
0x1b5: {  	[sflag:s15] =	ssyncadd.s32 $0xFFFFFF80  }
0x1b6: {  	_ =	swait.ge [sflag:s15], $0x80  }
0x1b7: {  	[sflag:s15] =	ssyncset.done $0x0  }
0x1b8: {  	[sflag:s15] =	ssyncadd.s32 $0xFFFFFF80  }
0x1b9: {  	_ =	swait.ge [sflag:s15], $0x80  }
0x1ba: {  	[sflag:s15] =	ssyncset.done $0x0  }
0x1bb: {  	[sflag:s15] =	ssyncadd.s32 $0xFFFFFF80  }
0x1bc: {  	_ =	swait.ge [sflag:s15], $0x80  }
0x1bd: {  	[sflag:s15] =	ssyncset.done $0x0  }
0x1be: {  	[sflag:s15] =	ssyncadd.s32 $0xFFFFFF80  }
0x1bf: {  	_ =	swait.ge [sflag:s15], $0x80  }
0x1c0: {  	[sflag:s15] =	ssyncset.done $0x0  }
0x1c1: {  	[sflag:s15] =	ssyncadd.s32 $0xFFFFFF80  }
0x1c2: {  	_ =	swait.ge [sflag:s15], $0x80  }
0x1c3: {  	[sflag:s15] =	ssyncset.done $0x0  }
0x1c4: {  	s17 =	stileid.u32;
	[sflag:s15] =	ssyncadd.s32 $0xFFFFFF80  }
0x1c5: {  	s16 =	sshll.u32 s17, $0x6;
	[bflag:$0x0] =	sbarrier.arrive $0xFFFF  }
0x1c6: {  	s16 =	sor.u32 $0x1C01, s16;
	s19 =	sshrl.u32 s13, $0x3;
	s20 =	rddreg [dreg:$0xc]  }
0x1c7: {  	[hbm:s20], [sflag:s16] =	dma.local [spmem:s19], $0x140  }
0x1c8: {  	s17 =	rddreg [dreg:$0xd]  }
0x1c9: {  	s19 =	rddreg [dreg:$0x13]  }
0x1ca: {  	[hbm:s17], [sflag:s16] =	dma.local [spmem:s19], $0x140  }
0x1cb: {  	s17 =	rddreg [dreg:$0xe]  }
0x1cc: {  	s19 =	rddreg [dreg:$0x14]  }
0x1cd: {  	[hbm:s17], [sflag:s16] =	dma.local [spmem:s19], $0x140  }
0x1ce: {  	s17 =	rddreg [dreg:$0xf]  }
0x1cf: {  	s19 =	rddreg [dreg:$0x15]  }
0x1d0: {  	[hbm:s17], [sflag:s16] =	dma.local [spmem:s19], $0x140  }
0x1d1: {  	s17 =	rddreg [dreg:$0x10]  }
0x1d2: {  	[hbm:s17], [sflag:s16] =	dma.local [spmem:s23], $0x140  }
0x1d3: {  	s21 =	sshrl.u32 s11, $0x3;
	s22 =	rddreg [dreg:$0x11]  }
0x1d4: {  	[hbm:s22], [sflag:s16] =	dma.local [spmem:s21], $0x40  }
0x1d5: {  	_ =	swait.ge [sflag:s12], $0x140  }
0x1d6: {  	[sflag:s12] =	ssyncset.done $0x0  }
0x1d7: {  	[sflag:s12] =	ssyncadd.s32 $0xFFFFFEC0  }
0x1d8: {  	_ =	swait.ge [sflag:s12], $0x140  }
0x1d9: {  	[sflag:s12] =	ssyncset.done $0x0  }
0x1da: {  	[sflag:s12] =	ssyncadd.s32 $0xFFFFFEC0  }
0x1db: {  	_ =	swait.ge [sflag:s12], $0x140  }
0x1dc: {  	[sflag:s12] =	ssyncset.done $0x0  }
0x1dd: {  	[sflag:s12] =	ssyncadd.s32 $0xFFFFFEC0  }
0x1de: {  	_ =	swait.ge [sflag:s12], $0x140  }
0x1df: {  	[sflag:s12] =	ssyncset.done $0x0  }
0x1e0: {  	[sflag:s12] =	ssyncadd.s32 $0xFFFFFEC0  }
0x1e1: {  	_ =	swait.ge [sflag:s12], $0x140  }
0x1e2: {  	[sflag:s12] =	ssyncset.done $0x0  }
0x1e3: {  	[sflag:s12] =	ssyncadd.s32 $0xFFFFFEC0  }
0x1e4: {  	_ =	swait.ge [sflag:s12], $0x40  }
0x1e5: {  	s5 =	sadd.s32 $0x1, s5;
	s31 =	rddreg [dreg:$0x12]  }
0x1e6: {  	p0 =	sne.s32 s5, s31  }
.Ltmp28:
0x1e7: {  	_ = 	snop;
	(pc) =	sbr.rel @p0 .LBB2_1-.Ltmp28, $4  }
.Ltmp29:
0x1e8: {  	_ = 	snop;
	(pc) =	sbr.rel @!p0 .LBB2_54-.Ltmp29, $4  }
0x1e9: {  	_ = 	snop  }
0x1ea: {  	[sflag:s12] =	ssyncset.done $0x0  }
0x1eb: {  	[sflag:s12] =	ssyncadd.s32 $0xFFFFFFC0  }
0x1ec: {  	_ = 	snop  }
.LBB2_8:
.Ltmp30:
0x1ed: {  	(pc) =	sbr.rel .LBB2_12-.Ltmp30, $2  }
0x1ee: {  	_ =	sdelay $0x2  }
0x1ef: {  	s31 =	smov.u32 s18;
	s17 =	simm.s32 $0x0;
	p1 =	por $0x0, $0x0  }
.LBB2_13:
.Ltmp31:
0x1f0: {  	(pc) =	sbr.rel .LBB2_18-.Ltmp31, $2  }
0x1f1: {  	_ =	sdelay $0x2  }
0x1f2: {  	s17 =	smov.u32 s2  }
.LBB2_19:
.Ltmp32:
0x1f3: {  	(pc) =	sbr.rel .LBB2_23-.Ltmp32, $2  }
0x1f4: {  	_ =	sdelay $0x2  }
0x1f5: {  	s31 =	smov.u32 s0;
	s17 =	simm.s32 $0x0;
	p1 =	por $0x0, $0x0  }
.LBB2_24:
.Ltmp33:
0x1f6: {  	(pc) =	sbr.rel .LBB2_29-.Ltmp33, $2  }
0x1f7: {  	_ =	sdelay $0x2  }
0x1f8: {  	s17 =	smov.u32 s4  }
.LBB2_30:
.Ltmp34:
0x1f9: {  	(pc) =	sbr.rel .LBB2_34-.Ltmp34, $2  }
0x1fa: {  	_ =	sdelay $0x2  }
0x1fb: {  	s31 =	smov.u32 s1;
	s17 =	simm.s32 $0x0;
	p1 =	por $0x0, $0x0  }
.LBB2_35:
.Ltmp35:
0x1fc: {  	(pc) =	sbr.rel .LBB2_40-.Ltmp35, $2  }
0x1fd: {  	_ =	sdelay $0x2  }
0x1fe: {  	s17 =	smov.u32 s6  }
.LBB2_41:
.Ltmp36:
0x1ff: {  	(pc) =	sbr.rel .LBB2_45-.Ltmp36, $2  }
0x200: {  	_ =	sdelay $0x2  }
0x201: {  	s31 =	smov.u32 s7;
	s17 =	simm.s32 $0x0;
	p1 =	por $0x0, $0x0  }
.LBB2_46:
.Ltmp37:
0x202: {  	(pc) =	sbr.rel .LBB2_51-.Ltmp37, $2  }
0x203: {  	_ =	sdelay $0x2  }
0x204: {  	s17 =	smov.u32 s9  }
.LBB2_10:
.Ltmp38:
0x205: {  	(pc) =	sbr.rel .LBB2_12-.Ltmp38, $2  }
0x206: {  	_ =	sdelay $0x2  }
0x207: {  	s19 =	simm.s32 $0x0  }
.LBB2_15:
.Ltmp39:
0x208: {  	(pc) =	sbr.rel .LBB2_18-.Ltmp39, $2  }
0x209: {  	_ =	sdelay $0x2  }
0x20a: {  	s20 =	simm.s32 $0x0;
	s16 =	simm.s32 $0x10  }
.LBB2_21:
.Ltmp40:
0x20b: {  	(pc) =	sbr.rel .LBB2_23-.Ltmp40, $2  }
0x20c: {  	_ =	sdelay $0x2  }
0x20d: {  	s19 =	simm.s32 $0x0  }
.LBB2_26:
.Ltmp41:
0x20e: {  	(pc) =	sbr.rel .LBB2_29-.Ltmp41, $2  }
0x20f: {  	_ =	sdelay $0x2  }
0x210: {  	s20 =	simm.s32 $0x0;
	s16 =	simm.s32 $0x10  }
.LBB2_32:
.Ltmp42:
0x211: {  	(pc) =	sbr.rel .LBB2_34-.Ltmp42, $2  }
0x212: {  	_ =	sdelay $0x2  }
0x213: {  	s19 =	simm.s32 $0x0  }
.LBB2_37:
.Ltmp43:
0x214: {  	(pc) =	sbr.rel .LBB2_40-.Ltmp43, $2  }
0x215: {  	_ =	sdelay $0x2  }
0x216: {  	s20 =	simm.s32 $0x0;
	s16 =	simm.s32 $0x10  }
.LBB2_43:
.Ltmp44:
0x217: {  	(pc) =	sbr.rel .LBB2_45-.Ltmp44, $2  }
0x218: {  	_ =	sdelay $0x2  }
0x219: {  	s19 =	simm.s32 $0x0  }
.LBB2_48:
.Ltmp45:
0x21a: {  	(pc) =	sbr.rel .LBB2_51-.Ltmp45, $2  }
0x21b: {  	_ =	sdelay $0x2  }
0x21c: {  	s20 =	simm.s32 $0x0;
	s16 =	simm.s32 $0x10  }
.LBB2_54:
0x21d: {  	_ =	sfence.sel $0x180000  }
0x21e: {  	[bflag:$0x0] =	sbarrier.arrive $0xFFFF  }
0x21f: {  	_ =	strace $0x90000047  }
0x220: {  	s0 =	stileid.u32;
	[bflag:$0x2] =	sbarrier.arrive $0xFFFF  }
0x221: {  	p0 =	sne.s32 s0, $0x0;
	s0 =	rddreg [dreg:$0x7]  }
0x222: {  	s0 =	sadd.s32 @!p0 $0x100000, s0  }
0x223: {  	[sflag:s0] =	ssyncadd.tile.s32 @!p0 $0x1;
	_ =	shalt  }
.Lfunc_end2:
_tile_overlayer_lowered:
.L_overlay_start_2:
0x224: {  	(tag) =	ssettag $0x2  }
0x225: {  	s0 =	rddreg [dreg:$0x0];
	s2 =	stileid.u32  }
0x226: {  	s1 =	rddreg [dreg:$0x1];
	p0 =	sne.s32 s2, $0x0  }
0x227: {  	s3 =	rddreg [dreg:$0x2];
	[bflag:$0x3] =	sbarrier.arrive $0xFFFF;
	s2 =	simm.s32 @!p0 $0x1C04  }
0x228: {  	[timem:s3], [sflag:s2] =	dma.local @!p0 [hbm:s0], s1  }
0x229: {  	s0 =	simm.s32 @!p0 $0x4  }
0x22a: {  	_ =	swait.ge @!p0 [sflag:s0], s1  }
0x22b: {  	s1 =	ssub.s32 @!p0 $0x0, s1;
	[sflag:s0] =	ssyncset.done @!p0 $0x0  }
0x22c: {  	[sflag:s0] =	ssyncadd.s32 @!p0 s1  }
0x22d: {  	[bflag:$0x3] =	sbarrier.arrive $0xFFFF  }
0x22e: {  	_ =	shalt  }

</sc_bundles>
